<compile_context>
chip_gen: v7x
topology: tpu7x:2x2x1
jax: 0.10.2.dev20260603
libtpu: 0.0.44.dev20260713+nightly
codegen_flags: <defaults>
</compile_context>

<pallas_src>
import functools

import jax
import jax.numpy as jnp
from jax import lax
from jax.experimental import pallas as pl
from jax.experimental.pallas import tpu as pltpu
from jax.experimental.pallas import tpu_sc as plsc

N = 3276800
NC = 2
NS = 16
L = 16
NW = NC * NS

N_SC = 1966080
N_TC = N - N_SC
PER_W = N_SC // NW
CHUNK = PER_W // 8
NCH = 8
U = 8

COLS = 128
ROWS = N // COLS
SC_ROWS = N_SC // COLS
TC_BLOCK_ROWS = 2560
TC_GRID = (ROWS - SC_ROWS) // TC_BLOCK_ROWS
SC_BLOCKS = SC_ROWS // TC_BLOCK_ROWS

_mesh = plsc.VectorSubcoreMesh(core_axis_name="c", subcore_axis_name="s")


@functools.partial(
    pl.kernel,
    mesh=_mesh,
    out_type=jax.ShapeDtypeStruct((NW, L), jnp.int32),
    scratch_types=[
        pltpu.VMEM((PER_W,), jnp.int32),
        pltpu.VMEM((L,), jnp.int32),
    ] + [pltpu.SemaphoreType.DMA] * NCH,
)
def _sc_count(in_hbm, out_hbm, buf_v, part_v, *sems):
    wid = lax.axis_index("s") * NC + lax.axis_index("c")
    base = wid * PER_W
    handles = [
        pltpu.async_copy(
            in_hbm.at[pl.ds(base + g * CHUNK, CHUNK)],
            buf_v.at[pl.ds(g * CHUNK, CHUNK)],
            sems[g],
        )
        for g in range(NCH)
    ]
    accs = tuple(jnp.zeros((L,), jnp.int32) for _ in range(U))
    for g in range(NCH):
        handles[g].wait()

        def body(i, accs_t, goff=g * CHUNK):
            off = goff + i * (U * L)
            return tuple(accs_t[u] + buf_v[pl.ds(off + u * L, L)] for u in range(U))

        accs = lax.fori_loop(0, CHUNK // (U * L), body, accs)
    acc = accs[0]
    for u in range(1, U):
        acc = acc + accs[u]
    part_v[...] = acc
    pltpu.sync_copy(part_v, out_hbm.at[wid])


def _tc_reduce_body(x_ref, o_ref):
    @pl.when(pl.program_id(0) == 0)
    def _init():
        o_ref[...] = jnp.zeros((8, COLS), jnp.int32)

    x = x_ref[...].reshape(TC_BLOCK_ROWS // 8, 8, COLS)
    o_ref[...] += jnp.sum(x, axis=0)


_tc_reduce = pl.pallas_call(
    _tc_reduce_body,
    grid=(TC_GRID,),
    in_specs=[pl.BlockSpec((TC_BLOCK_ROWS, COLS), lambda i: (SC_BLOCKS + i, 0))],
    out_specs=pl.BlockSpec((8, COLS), lambda i: (0, 0)),
    out_shape=jax.ShapeDtypeStruct((8, COLS), jnp.int32),
)


def _combine_body(part_ref, t_ref, w_ref, o_ref):
    s = (jnp.sum(part_ref[...]) + jnp.sum(t_ref[...])).astype(jnp.float32)
    frac = s * (1.0 / N)
    w = w_ref[...]
    o_ref[...] = (1.0 - frac) * w[0:1, :] + frac * w[1:2, :]


def _combine(partials, tc_sum, weight):
    return pl.pallas_call(
        _combine_body,
        in_specs=[
            pl.BlockSpec(memory_space=pltpu.VMEM),
            pl.BlockSpec(memory_space=pltpu.VMEM),
            pl.BlockSpec(memory_space=pltpu.VMEM),
        ],
        out_shape=jax.ShapeDtypeStruct((1, 3), jnp.float32),
    )(partials, tc_sum, weight)


def kernel(input, weight):
    idx = input if input.dtype == jnp.int32 else input.astype(jnp.int32)
    sc_partials = _sc_count(idx)
    tc_sum = _tc_reduce(idx.reshape(ROWS, COLS))
    return _combine(sc_partials, tc_sum, weight)

# --- scband reference (transcript-rebuilt; emitter-appended) ---
"""Pipeline reference for scband-my-model-87522843559537 (READ-ONLY COPY).

The authoritative reference and input builder live on the scoring server;
editing this copy changes nothing except your own understanding.
"""

import jax, jax.numpy as jnp
import numpy as np


def setup_inputs(seed: int = 0) -> dict:
    key = jax.random.key(seed)
    k1, k2 = jax.random.split(key)
    # forward arg: flat 1D index tensor (values in [0, 2) to stay in-range of the 2-row table)
    inp = jax.random.randint(k1, (3276800,), 0, 2, dtype=jnp.int64)
    # learned parameter: nn.Parameter(torch.rand(2, 3)) -> uniform [0, 1)
    weight = jax.random.uniform(k2, (2, 3), dtype=jnp.float32)
    return {"input": inp, "weight": weight}


def reference(input, weight):
    # F.embedding_bag(input, weight, offsets=[0]) with default mode='mean':
    # a single bag spanning the whole 1D input; output shape [1, embedding_dim].
    gathered = jnp.take(weight, input, axis=0)          # [N, 3] gather
    out = jnp.mean(gathered, axis=0, keepdims=True)     # [1, 3] mean-pooled bag
    return out

if __name__ == "__main__":
    import jax
    _d = setup_inputs()
    print(jax.jit(kernel)(*tuple(_d.values())))

</pallas_src>

<mosaic_0001>
#map = affine_map<(d0, d1) -> (0)>
#map1 = affine_map<(d0, d1) -> (0, 0)>
module attributes {stable_mosaic.version = 14 : i64} {
  func.func @_sc_count(%arg0: i32, %arg1: i32, %arg2: memref<3276800xi32, #tpu.memory_space<hbm>>, %arg3: memref<32x16xi32, #tpu.memory_space<hbm>>, %arg4: memref<61440xi32, #tpu.memory_space<vmem>>, %arg5: memref<16xi32, #tpu.memory_space<vmem>>, %arg6: memref<!tpu.dma_semaphore, #tpu.memory_space<semaphore_mem>>, %arg7: memref<!tpu.dma_semaphore, #tpu.memory_space<semaphore_mem>>, %arg8: memref<!tpu.dma_semaphore, #tpu.memory_space<semaphore_mem>>, %arg9: memref<!tpu.dma_semaphore, #tpu.memory_space<semaphore_mem>>, %arg10: memref<!tpu.dma_semaphore, #tpu.memory_space<semaphore_mem>>, %arg11: memref<!tpu.dma_semaphore, #tpu.memory_space<semaphore_mem>>, %arg12: memref<!tpu.dma_semaphore, #tpu.memory_space<semaphore_mem>>, %arg13: memref<!tpu.dma_semaphore, #tpu.memory_space<semaphore_mem>>) attributes {dimension_semantics = [#tpu.dimension_semantics<core_parallel>, #tpu.dimension_semantics<subcore_parallel>], iteration_bounds = array<i64: 2, 16>, scalar_prefetch = 0 : i64, scratch_operands = 10 : i64, tpu.core_type = #tpu.core_type<sc_vector_subcore>, window_params = [{transform_indices = #map}, {transform_indices = #map1}]} {
    %mul3A = arith.constant 2 : i32
    %mul3A_0 = arith.muli %arg1, %mul3A : i32
    %add3A = arith.addi %mul3A_0, %arg0 : i32
    %mul3A_1 = arith.constant 61440 : i32
    %mul3A_2 = arith.muli %add3A, %mul3A_1 : i32
    %add3A_3 = arith.constant 0 : i32
    %add3A_4 = arith.addi %mul3A_2, %add3A_3 : i32
    %dma_start3A = arith.constant 0 : i32
    %dma_start3A_5 = tpu.memref_slice %arg4[%dma_start3A] : memref<61440xi32, #tpu.memory_space<vmem>> -> memref<7680xi32, #tpu.memory_space<vmem>>
    %dma_start3A_6 = tpu.memref_slice %arg2[%add3A_4] : memref<3276800xi32, #tpu.memory_space<hbm>> -> memref<7680xi32, #tpu.memory_space<hbm>>
    %dma_start3A_7 = arith.constant 0 : i32
    %dma_start3A_8 = tpu.memref_slice %arg4[%dma_start3A_7] : memref<61440xi32, #tpu.memory_space<vmem>> -> memref<7680xi32, #tpu.memory_space<vmem>>
    %dma_start3A_9 = tpu.memref_slice %arg2[%add3A_4] : memref<3276800xi32, #tpu.memory_space<hbm>> -> memref<7680xi32, #tpu.memory_space<hbm>>
    tpu.enqueue_dma source(%dma_start3A_9 : memref<7680xi32, #tpu.memory_space<hbm>>) target(%dma_start3A_8 : memref<7680xi32, #tpu.memory_space<vmem>>) target_semaphore(%arg6 : memref<!tpu.dma_semaphore, #tpu.memory_space<semaphore_mem>>)
    %add3A_10 = arith.constant 7680 : i32
    %add3A_11 = arith.addi %mul3A_2, %add3A_10 : i32
    %dma_start3A_12 = arith.constant 7680 : i32
    %dma_start3A_13 = tpu.memref_slice %arg4[%dma_start3A_12] : memref<61440xi32, #tpu.memory_space<vmem>> -> memref<7680xi32, #tpu.memory_space<vmem>>
    %dma_start3A_14 = tpu.memref_slice %arg2[%add3A_11] : memref<3276800xi32, #tpu.memory_space<hbm>> -> memref<7680xi32, #tpu.memory_space<hbm>>
    %dma_start3A_15 = arith.constant 7680 : i32
    %dma_start3A_16 = tpu.memref_slice %arg4[%dma_start3A_15] : memref<61440xi32, #tpu.memory_space<vmem>> -> memref<7680xi32, #tpu.memory_space<vmem>>
    %dma_start3A_17 = tpu.memref_slice %arg2[%add3A_11] : memref<3276800xi32, #tpu.memory_space<hbm>> -> memref<7680xi32, #tpu.memory_space<hbm>>
    tpu.enqueue_dma source(%dma_start3A_17 : memref<7680xi32, #tpu.memory_space<hbm>>) target(%dma_start3A_16 : memref<7680xi32, #tpu.memory_space<vmem>>) target_semaphore(%arg7 : memref<!tpu.dma_semaphore, #tpu.memory_space<semaphore_mem>>)
    %add3A_18 = arith.constant 15360 : i32
    %add3A_19 = arith.addi %mul3A_2, %add3A_18 : i32
    %dma_start3A_20 = arith.constant 15360 : i32
    %dma_start3A_21 = tpu.memref_slice %arg4[%dma_start3A_20] : memref<61440xi32, #tpu.memory_space<vmem>> -> memref<7680xi32, #tpu.memory_space<vmem>>
    %dma_start3A_22 = tpu.memref_slice %arg2[%add3A_19] : memref<3276800xi32, #tpu.memory_space<hbm>> -> memref<7680xi32, #tpu.memory_space<hbm>>
    %dma_start3A_23 = arith.constant 15360 : i32
    %dma_start3A_24 = tpu.memref_slice %arg4[%dma_start3A_23] : memref<61440xi32, #tpu.memory_space<vmem>> -> memref<7680xi32, #tpu.memory_space<vmem>>
    %dma_start3A_25 = tpu.memref_slice %arg2[%add3A_19] : memref<3276800xi32, #tpu.memory_space<hbm>> -> memref<7680xi32, #tpu.memory_space<hbm>>
    tpu.enqueue_dma source(%dma_start3A_25 : memref<7680xi32, #tpu.memory_space<hbm>>) target(%dma_start3A_24 : memref<7680xi32, #tpu.memory_space<vmem>>) target_semaphore(%arg8 : memref<!tpu.dma_semaphore, #tpu.memory_space<semaphore_mem>>)
    %add3A_26 = arith.constant 23040 : i32
    %add3A_27 = arith.addi %mul3A_2, %add3A_26 : i32
    %dma_start3A_28 = arith.constant 23040 : i32
    %dma_start3A_29 = tpu.memref_slice %arg4[%dma_start3A_28] : memref<61440xi32, #tpu.memory_space<vmem>> -> memref<7680xi32, #tpu.memory_space<vmem>>
    %dma_start3A_30 = tpu.memref_slice %arg2[%add3A_27] : memref<3276800xi32, #tpu.memory_space<hbm>> -> memref<7680xi32, #tpu.memory_space<hbm>>
    %dma_start3A_31 = arith.constant 23040 : i32
    %dma_start3A_32 = tpu.memref_slice %arg4[%dma_start3A_31] : memref<61440xi32, #tpu.memory_space<vmem>> -> memref<7680xi32, #tpu.memory_space<vmem>>
    %dma_start3A_33 = tpu.memref_slice %arg2[%add3A_27] : memref<3276800xi32, #tpu.memory_space<hbm>> -> memref<7680xi32, #tpu.memory_space<hbm>>
    tpu.enqueue_dma source(%dma_start3A_33 : memref<7680xi32, #tpu.memory_space<hbm>>) target(%dma_start3A_32 : memref<7680xi32, #tpu.memory_space<vmem>>) target_semaphore(%arg9 : memref<!tpu.dma_semaphore, #tpu.memory_space<semaphore_mem>>)
    %add3A_34 = arith.constant 30720 : i32
    %add3A_35 = arith.addi %mul3A_2, %add3A_34 : i32
    %dma_start3A_36 = arith.constant 30720 : i32
    %dma_start3A_37 = tpu.memref_slice %arg4[%dma_start3A_36] : memref<61440xi32, #tpu.memory_space<vmem>> -> memref<7680xi32, #tpu.memory_space<vmem>>
    %dma_start3A_38 = tpu.memref_slice %arg2[%add3A_35] : memref<3276800xi32, #tpu.memory_space<hbm>> -> memref<7680xi32, #tpu.memory_space<hbm>>
    %dma_start3A_39 = arith.constant 30720 : i32
    %dma_start3A_40 = tpu.memref_slice %arg4[%dma_start3A_39] : memref<61440xi32, #tpu.memory_space<vmem>> -> memref<7680xi32, #tpu.memory_space<vmem>>
    %dma_start3A_41 = tpu.memref_slice %arg2[%add3A_35] : memref<3276800xi32, #tpu.memory_space<hbm>> -> memref<7680xi32, #tpu.memory_space<hbm>>
    tpu.enqueue_dma source(%dma_start3A_41 : memref<7680xi32, #tpu.memory_space<hbm>>) target(%dma_start3A_40 : memref<7680xi32, #tpu.memory_space<vmem>>) target_semaphore(%arg10 : memref<!tpu.dma_semaphore, #tpu.memory_space<semaphore_mem>>)
    %add3A_42 = arith.constant 38400 : i32
    %add3A_43 = arith.addi %mul3A_2, %add3A_42 : i32
    %dma_start3A_44 = arith.constant 38400 : i32
    %dma_start3A_45 = tpu.memref_slice %arg4[%dma_start3A_44] : memref<61440xi32, #tpu.memory_space<vmem>> -> memref<7680xi32, #tpu.memory_space<vmem>>
    %dma_start3A_46 = tpu.memref_slice %arg2[%add3A_43] : memref<3276800xi32, #tpu.memory_space<hbm>> -> memref<7680xi32, #tpu.memory_space<hbm>>
    %dma_start3A_47 = arith.constant 38400 : i32
    %dma_start3A_48 = tpu.memref_slice %arg4[%dma_start3A_47] : memref<61440xi32, #tpu.memory_space<vmem>> -> memref<7680xi32, #tpu.memory_space<vmem>>
    %dma_start3A_49 = tpu.memref_slice %arg2[%add3A_43] : memref<3276800xi32, #tpu.memory_space<hbm>> -> memref<7680xi32, #tpu.memory_space<hbm>>
    tpu.enqueue_dma source(%dma_start3A_49 : memref<7680xi32, #tpu.memory_space<hbm>>) target(%dma_start3A_48 : memref<7680xi32, #tpu.memory_space<vmem>>) target_semaphore(%arg11 : memref<!tpu.dma_semaphore, #tpu.memory_space<semaphore_mem>>)
    %add3A_50 = arith.constant 46080 : i32
    %add3A_51 = arith.addi %mul3A_2, %add3A_50 : i32
    %dma_start3A_52 = arith.constant 46080 : i32
    %dma_start3A_53 = tpu.memref_slice %arg4[%dma_start3A_52] : memref<61440xi32, #tpu.memory_space<vmem>> -> memref<7680xi32, #tpu.memory_space<vmem>>
    %dma_start3A_54 = tpu.memref_slice %arg2[%add3A_51] : memref<3276800xi32, #tpu.memory_space<hbm>> -> memref<7680xi32, #tpu.memory_space<hbm>>
    %dma_start3A_55 = arith.constant 46080 : i32
    %dma_start3A_56 = tpu.memref_slice %arg4[%dma_start3A_55] : memref<61440xi32, #tpu.memory_space<vmem>> -> memref<7680xi32, #tpu.memory_space<vmem>>
    %dma_start3A_57 = tpu.memref_slice %arg2[%add3A_51] : memref<3276800xi32, #tpu.memory_space<hbm>> -> memref<7680xi32, #tpu.memory_space<hbm>>
    tpu.enqueue_dma source(%dma_start3A_57 : memref<7680xi32, #tpu.memory_space<hbm>>) target(%dma_start3A_56 : memref<7680xi32, #tpu.memory_space<vmem>>) target_semaphore(%arg12 : memref<!tpu.dma_semaphore, #tpu.memory_space<semaphore_mem>>)
    %add3A_58 = arith.constant 53760 : i32
    %add3A_59 = arith.addi %mul3A_2, %add3A_58 : i32
    %dma_start3A_60 = arith.constant 53760 : i32
    %dma_start3A_61 = tpu.memref_slice %arg4[%dma_start3A_60] : memref<61440xi32, #tpu.memory_space<vmem>> -> memref<7680xi32, #tpu.memory_space<vmem>>
    %dma_start3A_62 = tpu.memref_slice %arg2[%add3A_59] : memref<3276800xi32, #tpu.memory_space<hbm>> -> memref<7680xi32, #tpu.memory_space<hbm>>
    %dma_start3A_63 = arith.constant 53760 : i32
    %dma_start3A_64 = tpu.memref_slice %arg4[%dma_start3A_63] : memref<61440xi32, #tpu.memory_space<vmem>> -> memref<7680xi32, #tpu.memory_space<vmem>>
    %dma_start3A_65 = tpu.memref_slice %arg2[%add3A_59] : memref<3276800xi32, #tpu.memory_space<hbm>> -> memref<7680xi32, #tpu.memory_space<hbm>>
    tpu.enqueue_dma source(%dma_start3A_65 : memref<7680xi32, #tpu.memory_space<hbm>>) target(%dma_start3A_64 : memref<7680xi32, #tpu.memory_space<vmem>>) target_semaphore(%arg13 : memref<!tpu.dma_semaphore, #tpu.memory_space<semaphore_mem>>)
    %broadcast_in_dim3A = arith.constant 0 : i32
    %broadcast_in_dim3A_66 = vector.broadcast %broadcast_in_dim3A : i32 to vector<16xi32>
    %broadcast_in_dim3A_67 = arith.constant 0 : i32
    %broadcast_in_dim3A_68 = vector.broadcast %broadcast_in_dim3A_67 : i32 to vector<16xi32>
    %broadcast_in_dim3A_69 = arith.constant 0 : i32
    %broadcast_in_dim3A_70 = vector.broadcast %broadcast_in_dim3A_69 : i32 to vector<16xi32>
    %broadcast_in_dim3A_71 = arith.constant 0 : i32
    %broadcast_in_dim3A_72 = vector.broadcast %broadcast_in_dim3A_71 : i32 to vector<16xi32>
    %broadcast_in_dim3A_73 = arith.constant 0 : i32
    %broadcast_in_dim3A_74 = vector.broadcast %broadcast_in_dim3A_73 : i32 to vector<16xi32>
    %broadcast_in_dim3A_75 = arith.constant 0 : i32
    %broadcast_in_dim3A_76 = vector.broadcast %broadcast_in_dim3A_75 : i32 to vector<16xi32>
    %broadcast_in_dim3A_77 = arith.constant 0 : i32
    %broadcast_in_dim3A_78 = vector.broadcast %broadcast_in_dim3A_77 : i32 to vector<16xi32>
    %broadcast_in_dim3A_79 = arith.constant 0 : i32
    %broadcast_in_dim3A_80 = vector.broadcast %broadcast_in_dim3A_79 : i32 to vector<16xi32>
    %dma_wait3A = arith.constant 0 : i32
    %dma_wait3A_81 = tpu.memref_slice %arg4[%dma_wait3A] : memref<61440xi32, #tpu.memory_space<vmem>> -> memref<7680xi32, #tpu.memory_space<vmem>>
    %dma_wait3A_82 = tpu.memref_slice %arg2[%add3A_4] : memref<3276800xi32, #tpu.memory_space<hbm>> -> memref<7680xi32, #tpu.memory_space<hbm>>
    %dma_wait3A_83 = arith.constant 0 : i32
    %dma_wait3A_84 = tpu.memref_slice %arg4[%dma_wait3A_83] : memref<61440xi32, #tpu.memory_space<vmem>> -> memref<7680xi32, #tpu.memory_space<vmem>>
    %dma_wait3A_85 = tpu.memref_slice %arg2[%add3A_4] : memref<3276800xi32, #tpu.memory_space<hbm>> -> memref<7680xi32, #tpu.memory_space<hbm>>
    tpu.wait_dma2 semaphore(%arg6 : memref<!tpu.dma_semaphore, #tpu.memory_space<semaphore_mem>>) src(%dma_wait3A_85 : memref<7680xi32, #tpu.memory_space<hbm>>) dst(%dma_wait3A_84 : memref<7680xi32, #tpu.memory_space<vmem>>)
    %scan3A = arith.constant 0 : i32
    %scan3A_86 = arith.constant 60 : i32
    %scan3A_87 = arith.addi %scan3A, %scan3A_86 : i32
    %scan3A_88 = arith.constant 1 : i32
    %scan3A_89:8 = scf.for %scan3A_185 = %scan3A to %scan3A_87 step %scan3A_88 iter_args(%scan3A_186 = %broadcast_in_dim3A_66, %scan3A_187 = %broadcast_in_dim3A_68, %scan3A_188 = %broadcast_in_dim3A_70, %scan3A_189 = %broadcast_in_dim3A_72, %scan3A_190 = %broadcast_in_dim3A_74, %scan3A_191 = %broadcast_in_dim3A_76, %scan3A_192 = %broadcast_in_dim3A_78, %scan3A_193 = %broadcast_in_dim3A_80) -> (vector<16xi32>, vector<16xi32>, vector<16xi32>, vector<16xi32>, vector<16xi32>, vector<16xi32>, vector<16xi32>, vector<16xi32>)  : i32 {
      %mul3A_194 = arith.constant 128 : i32
      %mul3A_195 = arith.muli %scan3A_185, %mul3A_194 : i32
      %add3A_196 = arith.constant 0 : i32
      %add3A_197 = arith.addi %add3A_196, %mul3A_195 : i32
      %add3A_198 = arith.constant 0 : i32
      %add3A_199 = arith.addi %add3A_197, %add3A_198 : i32
      %get3A = arith.index_cast %add3A_199 : i32 to index
      %get3A_200 = tpu.vector_load %arg4[%get3A] {strides = array<i32>} : memref<61440xi32, #tpu.memory_space<vmem>>, vector<16xi32>,
      %get3A_201 = vector.shape_cast %get3A_200 : vector<16xi32> to vector<16xi32>
      %add3A_202 = arith.addi %scan3A_186, %get3A_201 : vector<16xi32>
      %add3A_203 = arith.constant 16 : i32
      %add3A_204 = arith.addi %add3A_197, %add3A_203 : i32
      %get3A_205 = arith.index_cast %add3A_204 : i32 to index
      %get3A_206 = tpu.vector_load %arg4[%get3A_205] {strides = array<i32>} : memref<61440xi32, #tpu.memory_space<vmem>>, vector<16xi32>,
      %get3A_207 = vector.shape_cast %get3A_206 : vector<16xi32> to vector<16xi32>
      %add3A_208 = arith.addi %scan3A_187, %get3A_207 : vector<16xi32>
      %add3A_209 = arith.constant 32 : i32
      %add3A_210 = arith.addi %add3A_197, %add3A_209 : i32
      %get3A_211 = arith.index_cast %add3A_210 : i32 to index
      %get3A_212 = tpu.vector_load %arg4[%get3A_211] {strides = array<i32>} : memref<61440xi32, #tpu.memory_space<vmem>>, vector<16xi32>,
      %get3A_213 = vector.shape_cast %get3A_212 : vector<16xi32> to vector<16xi32>
      %add3A_214 = arith.addi %scan3A_188, %get3A_213 : vector<16xi32>
      %add3A_215 = arith.constant 48 : i32
      %add3A_216 = arith.addi %add3A_197, %add3A_215 : i32
      %get3A_217 = arith.index_cast %add3A_216 : i32 to index
      %get3A_218 = tpu.vector_load %arg4[%get3A_217] {strides = array<i32>} : memref<61440xi32, #tpu.memory_space<vmem>>, vector<16xi32>,
      %get3A_219 = vector.shape_cast %get3A_218 : vector<16xi32> to vector<16xi32>
      %add3A_220 = arith.addi %scan3A_189, %get3A_219 : vector<16xi32>
      %add3A_221 = arith.constant 64 : i32
      %add3A_222 = arith.addi %add3A_197, %add3A_221 : i32
      %get3A_223 = arith.index_cast %add3A_222 : i32 to index
      %get3A_224 = tpu.vector_load %arg4[%get3A_223] {strides = array<i32>} : memref<61440xi32, #tpu.memory_space<vmem>>, vector<16xi32>,
      %get3A_225 = vector.shape_cast %get3A_224 : vector<16xi32> to vector<16xi32>
      %add3A_226 = arith.addi %scan3A_190, %get3A_225 : vector<16xi32>
      %add3A_227 = arith.constant 80 : i32
      %add3A_228 = arith.addi %add3A_197, %add3A_227 : i32
      %get3A_229 = arith.index_cast %add3A_228 : i32 to index
      %get3A_230 = tpu.vector_load %arg4[%get3A_229] {strides = array<i32>} : memref<61440xi32, #tpu.memory_space<vmem>>, vector<16xi32>,
      %get3A_231 = vector.shape_cast %get3A_230 : vector<16xi32> to vector<16xi32>
      %add3A_232 = arith.addi %scan3A_191, %get3A_231 : vector<16xi32>
      %add3A_233 = arith.constant 96 : i32
      %add3A_234 = arith.addi %add3A_197, %add3A_233 : i32
      %get3A_235 = arith.index_cast %add3A_234 : i32 to index
      %get3A_236 = tpu.vector_load %arg4[%get3A_235] {strides = array<i32>} : memref<61440xi32, #tpu.memory_space<vmem>>, vector<16xi32>,
      %get3A_237 = vector.shape_cast %get3A_236 : vector<16xi32> to vector<16xi32>
      %add3A_238 = arith.addi %scan3A_192, %get3A_237 : vector<16xi32>
      %add3A_239 = arith.constant 112 : i32
      %add3A_240 = arith.addi %add3A_197, %add3A_239 : i32
      %get3A_241 = arith.index_cast %add3A_240 : i32 to index
      %get3A_242 = tpu.vector_load %arg4[%get3A_241] {strides = array<i32>} : memref<61440xi32, #tpu.memory_space<vmem>>, vector<16xi32>,
      %get3A_243 = vector.shape_cast %get3A_242 : vector<16xi32> to vector<16xi32>
      %add3A_244 = arith.addi %scan3A_193, %get3A_243 : vector<16xi32>
      scf.yield %add3A_202, %add3A_208, %add3A_214, %add3A_220, %add3A_226, %add3A_232, %add3A_238, %add3A_244 : vector<16xi32>, vector<16xi32>, vector<16xi32>, vector<16xi32>, vector<16xi32>, vector<16xi32>, vector<16xi32>, vector<16xi32>
    }
    %scan3A_90 = arith.constant 60 : i32
    %dma_wait3A_91 = arith.constant 7680 : i32
    %dma_wait3A_92 = tpu.memref_slice %arg4[%dma_wait3A_91] : memref<61440xi32, #tpu.memory_space<vmem>> -> memref<7680xi32, #tpu.memory_space<vmem>>
    %dma_wait3A_93 = tpu.memref_slice %arg2[%add3A_11] : memref<3276800xi32, #tpu.memory_space<hbm>> -> memref<7680xi32, #tpu.memory_space<hbm>>
    %dma_wait3A_94 = arith.constant 7680 : i32
    %dma_wait3A_95 = tpu.memref_slice %arg4[%dma_wait3A_94] : memref<61440xi32, #tpu.memory_space<vmem>> -> memref<7680xi32, #tpu.memory_space<vmem>>
    %dma_wait3A_96 = tpu.memref_slice %arg2[%add3A_11] : memref<3276800xi32, #tpu.memory_space<hbm>> -> memref<7680xi32, #tpu.memory_space<hbm>>
    tpu.wait_dma2 semaphore(%arg7 : memref<!tpu.dma_semaphore, #tpu.memory_space<semaphore_mem>>) src(%dma_wait3A_96 : memref<7680xi32, #tpu.memory_space<hbm>>) dst(%dma_wait3A_95 : memref<7680xi32, #tpu.memory_space<vmem>>)
    %scan3A_97 = arith.constant 0 : i32
    %scan3A_98 = arith.constant 60 : i32
    %scan3A_99 = arith.addi %scan3A_97, %scan3A_98 : i32
    %scan3A_100 = arith.constant 1 : i32
    %scan3A_101:8 = scf.for %scan3A_185 = %scan3A_97 to %scan3A_99 step %scan3A_100 iter_args(%scan3A_186 = %scan3A_89#0, %scan3A_187 = %scan3A_89#1, %scan3A_188 = %scan3A_89#2, %scan3A_189 = %scan3A_89#3, %scan3A_190 = %scan3A_89#4, %scan3A_191 = %scan3A_89#5, %scan3A_192 = %scan3A_89#6, %scan3A_193 = %scan3A_89#7) -> (vector<16xi32>, vector<16xi32>, vector<16xi32>, vector<16xi32>, vector<16xi32>, vector<16xi32>, vector<16xi32>, vector<16xi32>)  : i32 {
      %mul3A_194 = arith.constant 128 : i32
      %mul3A_195 = arith.muli %scan3A_185, %mul3A_194 : i32
      %add3A_196 = arith.constant 7680 : i32
      %add3A_197 = arith.addi %add3A_196, %mul3A_195 : i32
      %add3A_198 = arith.constant 0 : i32
      %add3A_199 = arith.addi %add3A_197, %add3A_198 : i32
      %get3A = arith.index_cast %add3A_199 : i32 to index
      %get3A_200 = tpu.vector_load %arg4[%get3A] {strides = array<i32>} : memref<61440xi32, #tpu.memory_space<vmem>>, vector<16xi32>,
      %get3A_201 = vector.shape_cast %get3A_200 : vector<16xi32> to vector<16xi32>
      %add3A_202 = arith.addi %scan3A_186, %get3A_201 : vector<16xi32>
      %add3A_203 = arith.constant 16 : i32
      %add3A_204 = arith.addi %add3A_197, %add3A_203 : i32
      %get3A_205 = arith.index_cast %add3A_204 : i32 to index
      %get3A_206 = tpu.vector_load %arg4[%get3A_205] {strides = array<i32>} : memref<61440xi32, #tpu.memory_space<vmem>>, vector<16xi32>,
      %get3A_207 = vector.shape_cast %get3A_206 : vector<16xi32> to vector<16xi32>
      %add3A_208 = arith.addi %scan3A_187, %get3A_207 : vector<16xi32>
      %add3A_209 = arith.constant 32 : i32
      %add3A_210 = arith.addi %add3A_197, %add3A_209 : i32
      %get3A_211 = arith.index_cast %add3A_210 : i32 to index
      %get3A_212 = tpu.vector_load %arg4[%get3A_211] {strides = array<i32>} : memref<61440xi32, #tpu.memory_space<vmem>>, vector<16xi32>,
      %get3A_213 = vector.shape_cast %get3A_212 : vector<16xi32> to vector<16xi32>
      %add3A_214 = arith.addi %scan3A_188, %get3A_213 : vector<16xi32>
      %add3A_215 = arith.constant 48 : i32
      %add3A_216 = arith.addi %add3A_197, %add3A_215 : i32
      %get3A_217 = arith.index_cast %add3A_216 : i32 to index
      %get3A_218 = tpu.vector_load %arg4[%get3A_217] {strides = array<i32>} : memref<61440xi32, #tpu.memory_space<vmem>>, vector<16xi32>,
      %get3A_219 = vector.shape_cast %get3A_218 : vector<16xi32> to vector<16xi32>
      %add3A_220 = arith.addi %scan3A_189, %get3A_219 : vector<16xi32>
      %add3A_221 = arith.constant 64 : i32
      %add3A_222 = arith.addi %add3A_197, %add3A_221 : i32
      %get3A_223 = arith.index_cast %add3A_222 : i32 to index
      %get3A_224 = tpu.vector_load %arg4[%get3A_223] {strides = array<i32>} : memref<61440xi32, #tpu.memory_space<vmem>>, vector<16xi32>,
      %get3A_225 = vector.shape_cast %get3A_224 : vector<16xi32> to vector<16xi32>
      %add3A_226 = arith.addi %scan3A_190, %get3A_225 : vector<16xi32>
      %add3A_227 = arith.constant 80 : i32
      %add3A_228 = arith.addi %add3A_197, %add3A_227 : i32
      %get3A_229 = arith.index_cast %add3A_228 : i32 to index
      %get3A_230 = tpu.vector_load %arg4[%get3A_229] {strides = array<i32>} : memref<61440xi32, #tpu.memory_space<vmem>>, vector<16xi32>,
      %get3A_231 = vector.shape_cast %get3A_230 : vector<16xi32> to vector<16xi32>
      %add3A_232 = arith.addi %scan3A_191, %get3A_231 : vector<16xi32>
      %add3A_233 = arith.constant 96 : i32
      %add3A_234 = arith.addi %add3A_197, %add3A_233 : i32
      %get3A_235 = arith.index_cast %add3A_234 : i32 to index
      %get3A_236 = tpu.vector_load %arg4[%get3A_235] {strides = array<i32>} : memref<61440xi32, #tpu.memory_space<vmem>>, vector<16xi32>,
      %get3A_237 = vector.shape_cast %get3A_236 : vector<16xi32> to vector<16xi32>
      %add3A_238 = arith.addi %scan3A_192, %get3A_237 : vector<16xi32>
      %add3A_239 = arith.constant 112 : i32
      %add3A_240 = arith.addi %add3A_197, %add3A_239 : i32
      %get3A_241 = arith.index_cast %add3A_240 : i32 to index
      %get3A_242 = tpu.vector_load %arg4[%get3A_241] {strides = array<i32>} : memref<61440xi32, #tpu.memory_space<vmem>>, vector<16xi32>,
      %get3A_243 = vector.shape_cast %get3A_242 : vector<16xi32> to vector<16xi32>
      %add3A_244 = arith.addi %scan3A_193, %get3A_243 : vector<16xi32>
      scf.yield %add3A_202, %add3A_208, %add3A_214, %add3A_220, %add3A_226, %add3A_232, %add3A_238, %add3A_244 : vector<16xi32>, vector<16xi32>, vector<16xi32>, vector<16xi32>, vector<16xi32>, vector<16xi32>, vector<16xi32>, vector<16xi32>
    }
    %scan3A_102 = arith.constant 60 : i32
    %dma_wait3A_103 = arith.constant 15360 : i32
    %dma_wait3A_104 = tpu.memref_slice %arg4[%dma_wait3A_103] : memref<61440xi32, #tpu.memory_space<vmem>> -> memref<7680xi32, #tpu.memory_space<vmem>>
    %dma_wait3A_105 = tpu.memref_slice %arg2[%add3A_19] : memref<3276800xi32, #tpu.memory_space<hbm>> -> memref<7680xi32, #tpu.memory_space<hbm>>
    %dma_wait3A_106 = arith.constant 15360 : i32
    %dma_wait3A_107 = tpu.memref_slice %arg4[%dma_wait3A_106] : memref<61440xi32, #tpu.memory_space<vmem>> -> memref<7680xi32, #tpu.memory_space<vmem>>
    %dma_wait3A_108 = tpu.memref_slice %arg2[%add3A_19] : memref<3276800xi32, #tpu.memory_space<hbm>> -> memref<7680xi32, #tpu.memory_space<hbm>>
    tpu.wait_dma2 semaphore(%arg8 : memref<!tpu.dma_semaphore, #tpu.memory_space<semaphore_mem>>) src(%dma_wait3A_108 : memref<7680xi32, #tpu.memory_space<hbm>>) dst(%dma_wait3A_107 : memref<7680xi32, #tpu.memory_space<vmem>>)
    %scan3A_109 = arith.constant 0 : i32
    %scan3A_110 = arith.constant 60 : i32
    %scan3A_111 = arith.addi %scan3A_109, %scan3A_110 : i32
    %scan3A_112 = arith.constant 1 : i32
    %scan3A_113:8 = scf.for %scan3A_185 = %scan3A_109 to %scan3A_111 step %scan3A_112 iter_args(%scan3A_186 = %scan3A_101#0, %scan3A_187 = %scan3A_101#1, %scan3A_188 = %scan3A_101#2, %scan3A_189 = %scan3A_101#3, %scan3A_190 = %scan3A_101#4, %scan3A_191 = %scan3A_101#5, %scan3A_192 = %scan3A_101#6, %scan3A_193 = %scan3A_101#7) -> (vector<16xi32>, vector<16xi32>, vector<16xi32>, vector<16xi32>, vector<16xi32>, vector<16xi32>, vector<16xi32>, vector<16xi32>)  : i32 {
      %mul3A_194 = arith.constant 128 : i32
      %mul3A_195 = arith.muli %scan3A_185, %mul3A_194 : i32
      %add3A_196 = arith.constant 15360 : i32
      %add3A_197 = arith.addi %add3A_196, %mul3A_195 : i32
      %add3A_198 = arith.constant 0 : i32
      %add3A_199 = arith.addi %add3A_197, %add3A_198 : i32
      %get3A = arith.index_cast %add3A_199 : i32 to index
      %get3A_200 = tpu.vector_load %arg4[%get3A] {strides = array<i32>} : memref<61440xi32, #tpu.memory_space<vmem>>, vector<16xi32>,
      %get3A_201 = vector.shape_cast %get3A_200 : vector<16xi32> to vector<16xi32>
      %add3A_202 = arith.addi %scan3A_186, %get3A_201 : vector<16xi32>
      %add3A_203 = arith.constant 16 : i32
      %add3A_204 = arith.addi %add3A_197, %add3A_203 : i32
      %get3A_205 = arith.index_cast %add3A_204 : i32 to index
      %get3A_206 = tpu.vector_load %arg4[%get3A_205] {strides = array<i32>} : memref<61440xi32, #tpu.memory_space<vmem>>, vector<16xi32>,
      %get3A_207 = vector.shape_cast %get3A_206 : vector<16xi32> to vector<16xi32>
      %add3A_208 = arith.addi %scan3A_187, %get3A_207 : vector<16xi32>
      %add3A_209 = arith.constant 32 : i32
      %add3A_210 = arith.addi %add3A_197, %add3A_209 : i32
      %get3A_211 = arith.index_cast %add3A_210 : i32 to index
      %get3A_212 = tpu.vector_load %arg4[%get3A_211] {strides = array<i32>} : memref<61440xi32, #tpu.memory_space<vmem>>, vector<16xi32>,
      %get3A_213 = vector.shape_cast %get3A_212 : vector<16xi32> to vector<16xi32>
      %add3A_214 = arith.addi %scan3A_188, %get3A_213 : vector<16xi32>
      %add3A_215 = arith.constant 48 : i32
      %add3A_216 = arith.addi %add3A_197, %add3A_215 : i32
      %get3A_217 = arith.index_cast %add3A_216 : i32 to index
      %get3A_218 = tpu.vector_load %arg4[%get3A_217] {strides = array<i32>} : memref<61440xi32, #tpu.memory_space<vmem>>, vector<16xi32>,
      %get3A_219 = vector.shape_cast %get3A_218 : vector<16xi32> to vector<16xi32>
      %add3A_220 = arith.addi %scan3A_189, %get3A_219 : vector<16xi32>
      %add3A_221 = arith.constant 64 : i32
      %add3A_222 = arith.addi %add3A_197, %add3A_221 : i32
      %get3A_223 = arith.index_cast %add3A_222 : i32 to index
      %get3A_224 = tpu.vector_load %arg4[%get3A_223] {strides = array<i32>} : memref<61440xi32, #tpu.memory_space<vmem>>, vector<16xi32>,
      %get3A_225 = vector.shape_cast %get3A_224 : vector<16xi32> to vector<16xi32>
      %add3A_226 = arith.addi %scan3A_190, %get3A_225 : vector<16xi32>
      %add3A_227 = arith.constant 80 : i32
      %add3A_228 = arith.addi %add3A_197, %add3A_227 : i32
      %get3A_229 = arith.index_cast %add3A_228 : i32 to index
      %get3A_230 = tpu.vector_load %arg4[%get3A_229] {strides = array<i32>} : memref<61440xi32, #tpu.memory_space<vmem>>, vector<16xi32>,
      %get3A_231 = vector.shape_cast %get3A_230 : vector<16xi32> to vector<16xi32>
      %add3A_232 = arith.addi %scan3A_191, %get3A_231 : vector<16xi32>
      %add3A_233 = arith.constant 96 : i32
      %add3A_234 = arith.addi %add3A_197, %add3A_233 : i32
      %get3A_235 = arith.index_cast %add3A_234 : i32 to index
      %get3A_236 = tpu.vector_load %arg4[%get3A_235] {strides = array<i32>} : memref<61440xi32, #tpu.memory_space<vmem>>, vector<16xi32>,
      %get3A_237 = vector.shape_cast %get3A_236 : vector<16xi32> to vector<16xi32>
      %add3A_238 = arith.addi %scan3A_192, %get3A_237 : vector<16xi32>
      %add3A_239 = arith.constant 112 : i32
      %add3A_240 = arith.addi %add3A_197, %add3A_239 : i32
      %get3A_241 = arith.index_cast %add3A_240 : i32 to index
      %get3A_242 = tpu.vector_load %arg4[%get3A_241] {strides = array<i32>} : memref<61440xi32, #tpu.memory_space<vmem>>, vector<16xi32>,
      %get3A_243 = vector.shape_cast %get3A_242 : vector<16xi32> to vector<16xi32>
      %add3A_244 = arith.addi %scan3A_193, %get3A_243 : vector<16xi32>
      scf.yield %add3A_202, %add3A_208, %add3A_214, %add3A_220, %add3A_226, %add3A_232, %add3A_238, %add3A_244 : vector<16xi32>, vector<16xi32>, vector<16xi32>, vector<16xi32>, vector<16xi32>, vector<16xi32>, vector<16xi32>, vector<16xi32>
    }
    %scan3A_114 = arith.constant 60 : i32
    %dma_wait3A_115 = arith.constant 23040 : i32
    %dma_wait3A_116 = tpu.memref_slice %arg4[%dma_wait3A_115] : memref<61440xi32, #tpu.memory_space<vmem>> -> memref<7680xi32, #tpu.memory_space<vmem>>
    %dma_wait3A_117 = tpu.memref_slice %arg2[%add3A_27] : memref<3276800xi32, #tpu.memory_space<hbm>> -> memref<7680xi32, #tpu.memory_space<hbm>>
    %dma_wait3A_118 = arith.constant 23040 : i32
    %dma_wait3A_119 = tpu.memref_slice %arg4[%dma_wait3A_118] : memref<61440xi32, #tpu.memory_space<vmem>> -> memref<7680xi32, #tpu.memory_space<vmem>>
    %dma_wait3A_120 = tpu.memref_slice %arg2[%add3A_27] : memref<3276800xi32, #tpu.memory_space<hbm>> -> memref<7680xi32, #tpu.memory_space<hbm>>
    tpu.wait_dma2 semaphore(%arg9 : memref<!tpu.dma_semaphore, #tpu.memory_space<semaphore_mem>>) src(%dma_wait3A_120 : memref<7680xi32, #tpu.memory_space<hbm>>) dst(%dma_wait3A_119 : memref<7680xi32, #tpu.memory_space<vmem>>)
    %scan3A_121 = arith.constant 0 : i32
    %scan3A_122 = arith.constant 60 : i32
    %scan3A_123 = arith.addi %scan3A_121, %scan3A_122 : i32
    %scan3A_124 = arith.constant 1 : i32
    %scan3A_125:8 = scf.for %scan3A_185 = %scan3A_121 to %scan3A_123 step %scan3A_124 iter_args(%scan3A_186 = %scan3A_113#0, %scan3A_187 = %scan3A_113#1, %scan3A_188 = %scan3A_113#2, %scan3A_189 = %scan3A_113#3, %scan3A_190 = %scan3A_113#4, %scan3A_191 = %scan3A_113#5, %scan3A_192 = %scan3A_113#6, %scan3A_193 = %scan3A_113#7) -> (vector<16xi32>, vector<16xi32>, vector<16xi32>, vector<16xi32>, vector<16xi32>, vector<16xi32>, vector<16xi32>, vector<16xi32>)  : i32 {
      %mul3A_194 = arith.constant 128 : i32
      %mul3A_195 = arith.muli %scan3A_185, %mul3A_194 : i32
      %add3A_196 = arith.constant 23040 : i32
      %add3A_197 = arith.addi %add3A_196, %mul3A_195 : i32
      %add3A_198 = arith.constant 0 : i32
      %add3A_199 = arith.addi %add3A_197, %add3A_198 : i32
      %get3A = arith.index_cast %add3A_199 : i32 to index
      %get3A_200 = tpu.vector_load %arg4[%get3A] {strides = array<i32>} : memref<61440xi32, #tpu.memory_space<vmem>>, vector<16xi32>,
      %get3A_201 = vector.shape_cast %get3A_200 : vector<16xi32> to vector<16xi32>
      %add3A_202 = arith.addi %scan3A_186, %get3A_201 : vector<16xi32>
      %add3A_203 = arith.constant 16 : i32
      %add3A_204 = arith.addi %add3A_197, %add3A_203 : i32
      %get3A_205 = arith.index_cast %add3A_204 : i32 to index
      %get3A_206 = tpu.vector_load %arg4[%get3A_205] {strides = array<i32>} : memref<61440xi32, #tpu.memory_space<vmem>>, vector<16xi32>,
      %get3A_207 = vector.shape_cast %get3A_206 : vector<16xi32> to vector<16xi32>
      %add3A_208 = arith.addi %scan3A_187, %get3A_207 : vector<16xi32>
      %add3A_209 = arith.constant 32 : i32
      %add3A_210 = arith.addi %add3A_197, %add3A_209 : i32
      %get3A_211 = arith.index_cast %add3A_210 : i32 to index
      %get3A_212 = tpu.vector_load %arg4[%get3A_211] {strides = array<i32>} : memref<61440xi32, #tpu.memory_space<vmem>>, vector<16xi32>,
      %get3A_213 = vector.shape_cast %get3A_212 : vector<16xi32> to vector<16xi32>
      %add3A_214 = arith.addi %scan3A_188, %get3A_213 : vector<16xi32>
      %add3A_215 = arith.constant 48 : i32
      %add3A_216 = arith.addi %add3A_197, %add3A_215 : i32
      %get3A_217 = arith.index_cast %add3A_216 : i32 to index
      %get3A_218 = tpu.vector_load %arg4[%get3A_217] {strides = array<i32>} : memref<61440xi32, #tpu.memory_space<vmem>>, vector<16xi32>,
      %get3A_219 = vector.shape_cast %get3A_218 : vector<16xi32> to vector<16xi32>
      %add3A_220 = arith.addi %scan3A_189, %get3A_219 : vector<16xi32>
      %add3A_221 = arith.constant 64 : i32
      %add3A_222 = arith.addi %add3A_197, %add3A_221 : i32
      %get3A_223 = arith.index_cast %add3A_222 : i32 to index
      %get3A_224 = tpu.vector_load %arg4[%get3A_223] {strides = array<i32>} : memref<61440xi32, #tpu.memory_space<vmem>>, vector<16xi32>,
      %get3A_225 = vector.shape_cast %get3A_224 : vector<16xi32> to vector<16xi32>
      %add3A_226 = arith.addi %scan3A_190, %get3A_225 : vector<16xi32>
      %add3A_227 = arith.constant 80 : i32
      %add3A_228 = arith.addi %add3A_197, %add3A_227 : i32
      %get3A_229 = arith.index_cast %add3A_228 : i32 to index
      %get3A_230 = tpu.vector_load %arg4[%get3A_229] {strides = array<i32>} : memref<61440xi32, #tpu.memory_space<vmem>>, vector<16xi32>,
      %get3A_231 = vector.shape_cast %get3A_230 : vector<16xi32> to vector<16xi32>
      %add3A_232 = arith.addi %scan3A_191, %get3A_231 : vector<16xi32>
      %add3A_233 = arith.constant 96 : i32
      %add3A_234 = arith.addi %add3A_197, %add3A_233 : i32
      %get3A_235 = arith.index_cast %add3A_234 : i32 to index
      %get3A_236 = tpu.vector_load %arg4[%get3A_235] {strides = array<i32>} : memref<61440xi32, #tpu.memory_space<vmem>>, vector<16xi32>,
      %get3A_237 = vector.shape_cast %get3A_236 : vector<16xi32> to vector<16xi32>
      %add3A_238 = arith.addi %scan3A_192, %get3A_237 : vector<16xi32>
      %add3A_239 = arith.constant 112 : i32
      %add3A_240 = arith.addi %add3A_197, %add3A_239 : i32
      %get3A_241 = arith.index_cast %add3A_240 : i32 to index
      %get3A_242 = tpu.vector_load %arg4[%get3A_241] {strides = array<i32>} : memref<61440xi32, #tpu.memory_space<vmem>>, vector<16xi32>,
      %get3A_243 = vector.shape_cast %get3A_242 : vector<16xi32> to vector<16xi32>
      %add3A_244 = arith.addi %scan3A_193, %get3A_243 : vector<16xi32>
      scf.yield %add3A_202, %add3A_208, %add3A_214, %add3A_220, %add3A_226, %add3A_232, %add3A_238, %add3A_244 : vector<16xi32>, vector<16xi32>, vector<16xi32>, vector<16xi32>, vector<16xi32>, vector<16xi32>, vector<16xi32>, vector<16xi32>
    }
    %scan3A_126 = arith.constant 60 : i32
    %dma_wait3A_127 = arith.constant 30720 : i32
    %dma_wait3A_128 = tpu.memref_slice %arg4[%dma_wait3A_127] : memref<61440xi32, #tpu.memory_space<vmem>> -> memref<7680xi32, #tpu.memory_space<vmem>>
    %dma_wait3A_129 = tpu.memref_slice %arg2[%add3A_35] : memref<3276800xi32, #tpu.memory_space<hbm>> -> memref<7680xi32, #tpu.memory_space<hbm>>
    %dma_wait3A_130 = arith.constant 30720 : i32
    %dma_wait3A_131 = tpu.memref_slice %arg4[%dma_wait3A_130] : memref<61440xi32, #tpu.memory_space<vmem>> -> memref<7680xi32, #tpu.memory_space<vmem>>
    %dma_wait3A_132 = tpu.memref_slice %arg2[%add3A_35] : memref<3276800xi32, #tpu.memory_space<hbm>> -> memref<7680xi32, #tpu.memory_space<hbm>>
    tpu.wait_dma2 semaphore(%arg10 : memref<!tpu.dma_semaphore, #tpu.memory_space<semaphore_mem>>) src(%dma_wait3A_132 : memref<7680xi32, #tpu.memory_space<hbm>>) dst(%dma_wait3A_131 : memref<7680xi32, #tpu.memory_space<vmem>>)
    %scan3A_133 = arith.constant 0 : i32
    %scan3A_134 = arith.constant 60 : i32
    %scan3A_135 = arith.addi %scan3A_133, %scan3A_134 : i32
    %scan3A_136 = arith.constant 1 : i32
    %scan3A_137:8 = scf.for %scan3A_185 = %scan3A_133 to %scan3A_135 step %scan3A_136 iter_args(%scan3A_186 = %scan3A_125#0, %scan3A_187 = %scan3A_125#1, %scan3A_188 = %scan3A_125#2, %scan3A_189 = %scan3A_125#3, %scan3A_190 = %scan3A_125#4, %scan3A_191 = %scan3A_125#5, %scan3A_192 = %scan3A_125#6, %scan3A_193 = %scan3A_125#7) -> (vector<16xi32>, vector<16xi32>, vector<16xi32>, vector<16xi32>, vector<16xi32>, vector<16xi32>, vector<16xi32>, vector<16xi32>)  : i32 {
      %mul3A_194 = arith.constant 128 : i32
      %mul3A_195 = arith.muli %scan3A_185, %mul3A_194 : i32
      %add3A_196 = arith.constant 30720 : i32
      %add3A_197 = arith.addi %add3A_196, %mul3A_195 : i32
      %add3A_198 = arith.constant 0 : i32
      %add3A_199 = arith.addi %add3A_197, %add3A_198 : i32
      %get3A = arith.index_cast %add3A_199 : i32 to index
      %get3A_200 = tpu.vector_load %arg4[%get3A] {strides = array<i32>} : memref<61440xi32, #tpu.memory_space<vmem>>, vector<16xi32>,
      %get3A_201 = vector.shape_cast %get3A_200 : vector<16xi32> to vector<16xi32>
      %add3A_202 = arith.addi %scan3A_186, %get3A_201 : vector<16xi32>
      %add3A_203 = arith.constant 16 : i32
      %add3A_204 = arith.addi %add3A_197, %add3A_203 : i32
      %get3A_205 = arith.index_cast %add3A_204 : i32 to index
      %get3A_206 = tpu.vector_load %arg4[%get3A_205] {strides = array<i32>} : memref<61440xi32, #tpu.memory_space<vmem>>, vector<16xi32>,
      %get3A_207 = vector.shape_cast %get3A_206 : vector<16xi32> to vector<16xi32>
      %add3A_208 = arith.addi %scan3A_187, %get3A_207 : vector<16xi32>
      %add3A_209 = arith.constant 32 : i32
      %add3A_210 = arith.addi %add3A_197, %add3A_209 : i32
      %get3A_211 = arith.index_cast %add3A_210 : i32 to index
      %get3A_212 = tpu.vector_load %arg4[%get3A_211] {strides = array<i32>} : memref<61440xi32, #tpu.memory_space<vmem>>, vector<16xi32>,
      %get3A_213 = vector.shape_cast %get3A_212 : vector<16xi32> to vector<16xi32>
      %add3A_214 = arith.addi %scan3A_188, %get3A_213 : vector<16xi32>
      %add3A_215 = arith.constant 48 : i32
      %add3A_216 = arith.addi %add3A_197, %add3A_215 : i32
      %get3A_217 = arith.index_cast %add3A_216 : i32 to index
      %get3A_218 = tpu.vector_load %arg4[%get3A_217] {strides = array<i32>} : memref<61440xi32, #tpu.memory_space<vmem>>, vector<16xi32>,
      %get3A_219 = vector.shape_cast %get3A_218 : vector<16xi32> to vector<16xi32>
      %add3A_220 = arith.addi %scan3A_189, %get3A_219 : vector<16xi32>
      %add3A_221 = arith.constant 64 : i32
      %add3A_222 = arith.addi %add3A_197, %add3A_221 : i32
      %get3A_223 = arith.index_cast %add3A_222 : i32 to index
      %get3A_224 = tpu.vector_load %arg4[%get3A_223] {strides = array<i32>} : memref<61440xi32, #tpu.memory_space<vmem>>, vector<16xi32>,
      %get3A_225 = vector.shape_cast %get3A_224 : vector<16xi32> to vector<16xi32>
      %add3A_226 = arith.addi %scan3A_190, %get3A_225 : vector<16xi32>
      %add3A_227 = arith.constant 80 : i32
      %add3A_228 = arith.addi %add3A_197, %add3A_227 : i32
      %get3A_229 = arith.index_cast %add3A_228 : i32 to index
      %get3A_230 = tpu.vector_load %arg4[%get3A_229] {strides = array<i32>} : memref<61440xi32, #tpu.memory_space<vmem>>, vector<16xi32>,
      %get3A_231 = vector.shape_cast %get3A_230 : vector<16xi32> to vector<16xi32>
      %add3A_232 = arith.addi %scan3A_191, %get3A_231 : vector<16xi32>
      %add3A_233 = arith.constant 96 : i32
      %add3A_234 = arith.addi %add3A_197, %add3A_233 : i32
      %get3A_235 = arith.index_cast %add3A_234 : i32 to index
      %get3A_236 = tpu.vector_load %arg4[%get3A_235] {strides = array<i32>} : memref<61440xi32, #tpu.memory_space<vmem>>, vector<16xi32>,
      %get3A_237 = vector.shape_cast %get3A_236 : vector<16xi32> to vector<16xi32>
      %add3A_238 = arith.addi %scan3A_192, %get3A_237 : vector<16xi32>
      %add3A_239 = arith.constant 112 : i32
      %add3A_240 = arith.addi %add3A_197, %add3A_239 : i32
      %get3A_241 = arith.index_cast %add3A_240 : i32 to index
      %get3A_242 = tpu.vector_load %arg4[%get3A_241] {strides = array<i32>} : memref<61440xi32, #tpu.memory_space<vmem>>, vector<16xi32>,
      %get3A_243 = vector.shape_cast %get3A_242 : vector<16xi32> to vector<16xi32>
      %add3A_244 = arith.addi %scan3A_193, %get3A_243 : vector<16xi32>
      scf.yield %add3A_202, %add3A_208, %add3A_214, %add3A_220, %add3A_226, %add3A_232, %add3A_238, %add3A_244 : vector<16xi32>, vector<16xi32>, vector<16xi32>, vector<16xi32>, vector<16xi32>, vector<16xi32>, vector<16xi32>, vector<16xi32>
    }
    %scan3A_138 = arith.constant 60 : i32
    %dma_wait3A_139 = arith.constant 38400 : i32
    %dma_wait3A_140 = tpu.memref_slice %arg4[%dma_wait3A_139] : memref<61440xi32, #tpu.memory_space<vmem>> -> memref<7680xi32, #tpu.memory_space<vmem>>
    %dma_wait3A_141 = tpu.memref_slice %arg2[%add3A_43] : memref<3276800xi32, #tpu.memory_space<hbm>> -> memref<7680xi32, #tpu.memory_space<hbm>>
    %dma_wait3A_142 = arith.constant 38400 : i32
    %dma_wait3A_143 = tpu.memref_slice %arg4[%dma_wait3A_142] : memref<61440xi32, #tpu.memory_space<vmem>> -> memref<7680xi32, #tpu.memory_space<vmem>>
    %dma_wait3A_144 = tpu.memref_slice %arg2[%add3A_43] : memref<3276800xi32, #tpu.memory_space<hbm>> -> memref<7680xi32, #tpu.memory_space<hbm>>
    tpu.wait_dma2 semaphore(%arg11 : memref<!tpu.dma_semaphore, #tpu.memory_space<semaphore_mem>>) src(%dma_wait3A_144 : memref<7680xi32, #tpu.memory_space<hbm>>) dst(%dma_wait3A_143 : memref<7680xi32, #tpu.memory_space<vmem>>)
    %scan3A_145 = arith.constant 0 : i32
    %scan3A_146 = arith.constant 60 : i32
    %scan3A_147 = arith.addi %scan3A_145, %scan3A_146 : i32
    %scan3A_148 = arith.constant 1 : i32
    %scan3A_149:8 = scf.for %scan3A_185 = %scan3A_145 to %scan3A_147 step %scan3A_148 iter_args(%scan3A_186 = %scan3A_137#0, %scan3A_187 = %scan3A_137#1, %scan3A_188 = %scan3A_137#2, %scan3A_189 = %scan3A_137#3, %scan3A_190 = %scan3A_137#4, %scan3A_191 = %scan3A_137#5, %scan3A_192 = %scan3A_137#6, %scan3A_193 = %scan3A_137#7) -> (vector<16xi32>, vector<16xi32>, vector<16xi32>, vector<16xi32>, vector<16xi32>, vector<16xi32>, vector<16xi32>, vector<16xi32>)  : i32 {
      %mul3A_194 = arith.constant 128 : i32
      %mul3A_195 = arith.muli %scan3A_185, %mul3A_194 : i32
      %add3A_196 = arith.constant 38400 : i32
      %add3A_197 = arith.addi %add3A_196, %mul3A_195 : i32
      %add3A_198 = arith.constant 0 : i32
      %add3A_199 = arith.addi %add3A_197, %add3A_198 : i32
      %get3A = arith.index_cast %add3A_199 : i32 to index
      %get3A_200 = tpu.vector_load %arg4[%get3A] {strides = array<i32>} : memref<61440xi32, #tpu.memory_space<vmem>>, vector<16xi32>,
      %get3A_201 = vector.shape_cast %get3A_200 : vector<16xi32> to vector<16xi32>
      %add3A_202 = arith.addi %scan3A_186, %get3A_201 : vector<16xi32>
      %add3A_203 = arith.constant 16 : i32
      %add3A_204 = arith.addi %add3A_197, %add3A_203 : i32
      %get3A_205 = arith.index_cast %add3A_204 : i32 to index
      %get3A_206 = tpu.vector_load %arg4[%get3A_205] {strides = array<i32>} : memref<61440xi32, #tpu.memory_space<vmem>>, vector<16xi32>,
      %get3A_207 = vector.shape_cast %get3A_206 : vector<16xi32> to vector<16xi32>
      %add3A_208 = arith.addi %scan3A_187, %get3A_207 : vector<16xi32>
      %add3A_209 = arith.constant 32 : i32
      %add3A_210 = arith.addi %add3A_197, %add3A_209 : i32
      %get3A_211 = arith.index_cast %add3A_210 : i32 to index
      %get3A_212 = tpu.vector_load %arg4[%get3A_211] {strides = array<i32>} : memref<61440xi32, #tpu.memory_space<vmem>>, vector<16xi32>,
      %get3A_213 = vector.shape_cast %get3A_212 : vector<16xi32> to vector<16xi32>
      %add3A_214 = arith.addi %scan3A_188, %get3A_213 : vector<16xi32>
      %add3A_215 = arith.constant 48 : i32
      %add3A_216 = arith.addi %add3A_197, %add3A_215 : i32
      %get3A_217 = arith.index_cast %add3A_216 : i32 to index
      %get3A_218 = tpu.vector_load %arg4[%get3A_217] {strides = array<i32>} : memref<61440xi32, #tpu.memory_space<vmem>>, vector<16xi32>,
      %get3A_219 = vector.shape_cast %get3A_218 : vector<16xi32> to vector<16xi32>
      %add3A_220 = arith.addi %scan3A_189, %get3A_219 : vector<16xi32>
      %add3A_221 = arith.constant 64 : i32
      %add3A_222 = arith.addi %add3A_197, %add3A_221 : i32
      %get3A_223 = arith.index_cast %add3A_222 : i32 to index
      %get3A_224 = tpu.vector_load %arg4[%get3A_223] {strides = array<i32>} : memref<61440xi32, #tpu.memory_space<vmem>>, vector<16xi32>,
      %get3A_225 = vector.shape_cast %get3A_224 : vector<16xi32> to vector<16xi32>
      %add3A_226 = arith.addi %scan3A_190, %get3A_225 : vector<16xi32>
      %add3A_227 = arith.constant 80 : i32
      %add3A_228 = arith.addi %add3A_197, %add3A_227 : i32
      %get3A_229 = arith.index_cast %add3A_228 : i32 to index
      %get3A_230 = tpu.vector_load %arg4[%get3A_229] {strides = array<i32>} : memref<61440xi32, #tpu.memory_space<vmem>>, vector<16xi32>,
      %get3A_231 = vector.shape_cast %get3A_230 : vector<16xi32> to vector<16xi32>
      %add3A_232 = arith.addi %scan3A_191, %get3A_231 : vector<16xi32>
      %add3A_233 = arith.constant 96 : i32
      %add3A_234 = arith.addi %add3A_197, %add3A_233 : i32
      %get3A_235 = arith.index_cast %add3A_234 : i32 to index
      %get3A_236 = tpu.vector_load %arg4[%get3A_235] {strides = array<i32>} : memref<61440xi32, #tpu.memory_space<vmem>>, vector<16xi32>,
      %get3A_237 = vector.shape_cast %get3A_236 : vector<16xi32> to vector<16xi32>
      %add3A_238 = arith.addi %scan3A_192, %get3A_237 : vector<16xi32>
      %add3A_239 = arith.constant 112 : i32
      %add3A_240 = arith.addi %add3A_197, %add3A_239 : i32
      %get3A_241 = arith.index_cast %add3A_240 : i32 to index
      %get3A_242 = tpu.vector_load %arg4[%get3A_241] {strides = array<i32>} : memref<61440xi32, #tpu.memory_space<vmem>>, vector<16xi32>,
      %get3A_243 = vector.shape_cast %get3A_242 : vector<16xi32> to vector<16xi32>
      %add3A_244 = arith.addi %scan3A_193, %get3A_243 : vector<16xi32>
      scf.yield %add3A_202, %add3A_208, %add3A_214, %add3A_220, %add3A_226, %add3A_232, %add3A_238, %add3A_244 : vector<16xi32>, vector<16xi32>, vector<16xi32>, vector<16xi32>, vector<16xi32>, vector<16xi32>, vector<16xi32>, vector<16xi32>
    }
    %scan3A_150 = arith.constant 60 : i32
    %dma_wait3A_151 = arith.constant 46080 : i32
    %dma_wait3A_152 = tpu.memref_slice %arg4[%dma_wait3A_151] : memref<61440xi32, #tpu.memory_space<vmem>> -> memref<7680xi32, #tpu.memory_space<vmem>>
    %dma_wait3A_153 = tpu.memref_slice %arg2[%add3A_51] : memref<3276800xi32, #tpu.memory_space<hbm>> -> memref<7680xi32, #tpu.memory_space<hbm>>
    %dma_wait3A_154 = arith.constant 46080 : i32
    %dma_wait3A_155 = tpu.memref_slice %arg4[%dma_wait3A_154] : memref<61440xi32, #tpu.memory_space<vmem>> -> memref<7680xi32, #tpu.memory_space<vmem>>
    %dma_wait3A_156 = tpu.memref_slice %arg2[%add3A_51] : memref<3276800xi32, #tpu.memory_space<hbm>> -> memref<7680xi32, #tpu.memory_space<hbm>>
    tpu.wait_dma2 semaphore(%arg12 : memref<!tpu.dma_semaphore, #tpu.memory_space<semaphore_mem>>) src(%dma_wait3A_156 : memref<7680xi32, #tpu.memory_space<hbm>>) dst(%dma_wait3A_155 : memref<7680xi32, #tpu.memory_space<vmem>>)
    %scan3A_157 = arith.constant 0 : i32
    %scan3A_158 = arith.constant 60 : i32
    %scan3A_159 = arith.addi %scan3A_157, %scan3A_158 : i32
    %scan3A_160 = arith.constant 1 : i32
    %scan3A_161:8 = scf.for %scan3A_185 = %scan3A_157 to %scan3A_159 step %scan3A_160 iter_args(%scan3A_186 = %scan3A_149#0, %scan3A_187 = %scan3A_149#1, %scan3A_188 = %scan3A_149#2, %scan3A_189 = %scan3A_149#3, %scan3A_190 = %scan3A_149#4, %scan3A_191 = %scan3A_149#5, %scan3A_192 = %scan3A_149#6, %scan3A_193 = %scan3A_149#7) -> (vector<16xi32>, vector<16xi32>, vector<16xi32>, vector<16xi32>, vector<16xi32>, vector<16xi32>, vector<16xi32>, vector<16xi32>)  : i32 {
      %mul3A_194 = arith.constant 128 : i32
      %mul3A_195 = arith.muli %scan3A_185, %mul3A_194 : i32
      %add3A_196 = arith.constant 46080 : i32
      %add3A_197 = arith.addi %add3A_196, %mul3A_195 : i32
      %add3A_198 = arith.constant 0 : i32
      %add3A_199 = arith.addi %add3A_197, %add3A_198 : i32
      %get3A = arith.index_cast %add3A_199 : i32 to index
      %get3A_200 = tpu.vector_load %arg4[%get3A] {strides = array<i32>} : memref<61440xi32, #tpu.memory_space<vmem>>, vector<16xi32>,
      %get3A_201 = vector.shape_cast %get3A_200 : vector<16xi32> to vector<16xi32>
      %add3A_202 = arith.addi %scan3A_186, %get3A_201 : vector<16xi32>
      %add3A_203 = arith.constant 16 : i32
      %add3A_204 = arith.addi %add3A_197, %add3A_203 : i32
      %get3A_205 = arith.index_cast %add3A_204 : i32 to index
      %get3A_206 = tpu.vector_load %arg4[%get3A_205] {strides = array<i32>} : memref<61440xi32, #tpu.memory_space<vmem>>, vector<16xi32>,
      %get3A_207 = vector.shape_cast %get3A_206 : vector<16xi32> to vector<16xi32>
      %add3A_208 = arith.addi %scan3A_187, %get3A_207 : vector<16xi32>
      %add3A_209 = arith.constant 32 : i32
      %add3A_210 = arith.addi %add3A_197, %add3A_209 : i32
      %get3A_211 = arith.index_cast %add3A_210 : i32 to index
      %get3A_212 = tpu.vector_load %arg4[%get3A_211] {strides = array<i32>} : memref<61440xi32, #tpu.memory_space<vmem>>, vector<16xi32>,
      %get3A_213 = vector.shape_cast %get3A_212 : vector<16xi32> to vector<16xi32>
      %add3A_214 = arith.addi %scan3A_188, %get3A_213 : vector<16xi32>
      %add3A_215 = arith.constant 48 : i32
      %add3A_216 = arith.addi %add3A_197, %add3A_215 : i32
      %get3A_217 = arith.index_cast %add3A_216 : i32 to index
      %get3A_218 = tpu.vector_load %arg4[%get3A_217] {strides = array<i32>} : memref<61440xi32, #tpu.memory_space<vmem>>, vector<16xi32>,
      %get3A_219 = vector.shape_cast %get3A_218 : vector<16xi32> to vector<16xi32>
      %add3A_220 = arith.addi %scan3A_189, %get3A_219 : vector<16xi32>
      %add3A_221 = arith.constant 64 : i32
      %add3A_222 = arith.addi %add3A_197, %add3A_221 : i32
      %get3A_223 = arith.index_cast %add3A_222 : i32 to index
      %get3A_224 = tpu.vector_load %arg4[%get3A_223] {strides = array<i32>} : memref<61440xi32, #tpu.memory_space<vmem>>, vector<16xi32>,
      %get3A_225 = vector.shape_cast %get3A_224 : vector<16xi32> to vector<16xi32>
      %add3A_226 = arith.addi %scan3A_190, %get3A_225 : vector<16xi32>
      %add3A_227 = arith.constant 80 : i32
      %add3A_228 = arith.addi %add3A_197, %add3A_227 : i32
      %get3A_229 = arith.index_cast %add3A_228 : i32 to index
      %get3A_230 = tpu.vector_load %arg4[%get3A_229] {strides = array<i32>} : memref<61440xi32, #tpu.memory_space<vmem>>, vector<16xi32>,
      %get3A_231 = vector.shape_cast %get3A_230 : vector<16xi32> to vector<16xi32>
      %add3A_232 = arith.addi %scan3A_191, %get3A_231 : vector<16xi32>
      %add3A_233 = arith.constant 96 : i32
      %add3A_234 = arith.addi %add3A_197, %add3A_233 : i32
      %get3A_235 = arith.index_cast %add3A_234 : i32 to index
      %get3A_236 = tpu.vector_load %arg4[%get3A_235] {strides = array<i32>} : memref<61440xi32, #tpu.memory_space<vmem>>, vector<16xi32>,
      %get3A_237 = vector.shape_cast %get3A_236 : vector<16xi32> to vector<16xi32>
      %add3A_238 = arith.addi %scan3A_192, %get3A_237 : vector<16xi32>
      %add3A_239 = arith.constant 112 : i32
      %add3A_240 = arith.addi %add3A_197, %add3A_239 : i32
      %get3A_241 = arith.index_cast %add3A_240 : i32 to index
      %get3A_242 = tpu.vector_load %arg4[%get3A_241] {strides = array<i32>} : memref<61440xi32, #tpu.memory_space<vmem>>, vector<16xi32>,
      %get3A_243 = vector.shape_cast %get3A_242 : vector<16xi32> to vector<16xi32>
      %add3A_244 = arith.addi %scan3A_193, %get3A_243 : vector<16xi32>
      scf.yield %add3A_202, %add3A_208, %add3A_214, %add3A_220, %add3A_226, %add3A_232, %add3A_238, %add3A_244 : vector<16xi32>, vector<16xi32>, vector<16xi32>, vector<16xi32>, vector<16xi32>, vector<16xi32>, vector<16xi32>, vector<16xi32>
    }
    %scan3A_162 = arith.constant 60 : i32
    %dma_wait3A_163 = arith.constant 53760 : i32
    %dma_wait3A_164 = tpu.memref_slice %arg4[%dma_wait3A_163] : memref<61440xi32, #tpu.memory_space<vmem>> -> memref<7680xi32, #tpu.memory_space<vmem>>
    %dma_wait3A_165 = tpu.memref_slice %arg2[%add3A_59] : memref<3276800xi32, #tpu.memory_space<hbm>> -> memref<7680xi32, #tpu.memory_space<hbm>>
    %dma_wait3A_166 = arith.constant 53760 : i32
    %dma_wait3A_167 = tpu.memref_slice %arg4[%dma_wait3A_166] : memref<61440xi32, #tpu.memory_space<vmem>> -> memref<7680xi32, #tpu.memory_space<vmem>>
    %dma_wait3A_168 = tpu.memref_slice %arg2[%add3A_59] : memref<3276800xi32, #tpu.memory_space<hbm>> -> memref<7680xi32, #tpu.memory_space<hbm>>
    tpu.wait_dma2 semaphore(%arg13 : memref<!tpu.dma_semaphore, #tpu.memory_space<semaphore_mem>>) src(%dma_wait3A_168 : memref<7680xi32, #tpu.memory_space<hbm>>) dst(%dma_wait3A_167 : memref<7680xi32, #tpu.memory_space<vmem>>)
    %scan3A_169 = arith.constant 0 : i32
    %scan3A_170 = arith.constant 60 : i32
    %scan3A_171 = arith.addi %scan3A_169, %scan3A_170 : i32
    %scan3A_172 = arith.constant 1 : i32
    %scan3A_173:8 = scf.for %scan3A_185 = %scan3A_169 to %scan3A_171 step %scan3A_172 iter_args(%scan3A_186 = %scan3A_161#0, %scan3A_187 = %scan3A_161#1, %scan3A_188 = %scan3A_161#2, %scan3A_189 = %scan3A_161#3, %scan3A_190 = %scan3A_161#4, %scan3A_191 = %scan3A_161#5, %scan3A_192 = %scan3A_161#6, %scan3A_193 = %scan3A_161#7) -> (vector<16xi32>, vector<16xi32>, vector<16xi32>, vector<16xi32>, vector<16xi32>, vector<16xi32>, vector<16xi32>, vector<16xi32>)  : i32 {
      %mul3A_194 = arith.constant 128 : i32
      %mul3A_195 = arith.muli %scan3A_185, %mul3A_194 : i32
      %add3A_196 = arith.constant 53760 : i32
      %add3A_197 = arith.addi %add3A_196, %mul3A_195 : i32
      %add3A_198 = arith.constant 0 : i32
      %add3A_199 = arith.addi %add3A_197, %add3A_198 : i32
      %get3A = arith.index_cast %add3A_199 : i32 to index
      %get3A_200 = tpu.vector_load %arg4[%get3A] {strides = array<i32>} : memref<61440xi32, #tpu.memory_space<vmem>>, vector<16xi32>,
      %get3A_201 = vector.shape_cast %get3A_200 : vector<16xi32> to vector<16xi32>
      %add3A_202 = arith.addi %scan3A_186, %get3A_201 : vector<16xi32>
      %add3A_203 = arith.constant 16 : i32
      %add3A_204 = arith.addi %add3A_197, %add3A_203 : i32
      %get3A_205 = arith.index_cast %add3A_204 : i32 to index
      %get3A_206 = tpu.vector_load %arg4[%get3A_205] {strides = array<i32>} : memref<61440xi32, #tpu.memory_space<vmem>>, vector<16xi32>,
      %get3A_207 = vector.shape_cast %get3A_206 : vector<16xi32> to vector<16xi32>
      %add3A_208 = arith.addi %scan3A_187, %get3A_207 : vector<16xi32>
      %add3A_209 = arith.constant 32 : i32
      %add3A_210 = arith.addi %add3A_197, %add3A_209 : i32
      %get3A_211 = arith.index_cast %add3A_210 : i32 to index
      %get3A_212 = tpu.vector_load %arg4[%get3A_211] {strides = array<i32>} : memref<61440xi32, #tpu.memory_space<vmem>>, vector<16xi32>,
      %get3A_213 = vector.shape_cast %get3A_212 : vector<16xi32> to vector<16xi32>
      %add3A_214 = arith.addi %scan3A_188, %get3A_213 : vector<16xi32>
      %add3A_215 = arith.constant 48 : i32
      %add3A_216 = arith.addi %add3A_197, %add3A_215 : i32
      %get3A_217 = arith.index_cast %add3A_216 : i32 to index
      %get3A_218 = tpu.vector_load %arg4[%get3A_217] {strides = array<i32>} : memref<61440xi32, #tpu.memory_space<vmem>>, vector<16xi32>,
      %get3A_219 = vector.shape_cast %get3A_218 : vector<16xi32> to vector<16xi32>
      %add3A_220 = arith.addi %scan3A_189, %get3A_219 : vector<16xi32>
      %add3A_221 = arith.constant 64 : i32
      %add3A_222 = arith.addi %add3A_197, %add3A_221 : i32
      %get3A_223 = arith.index_cast %add3A_222 : i32 to index
      %get3A_224 = tpu.vector_load %arg4[%get3A_223] {strides = array<i32>} : memref<61440xi32, #tpu.memory_space<vmem>>, vector<16xi32>,
      %get3A_225 = vector.shape_cast %get3A_224 : vector<16xi32> to vector<16xi32>
      %add3A_226 = arith.addi %scan3A_190, %get3A_225 : vector<16xi32>
      %add3A_227 = arith.constant 80 : i32
      %add3A_228 = arith.addi %add3A_197, %add3A_227 : i32
      %get3A_229 = arith.index_cast %add3A_228 : i32 to index
      %get3A_230 = tpu.vector_load %arg4[%get3A_229] {strides = array<i32>} : memref<61440xi32, #tpu.memory_space<vmem>>, vector<16xi32>,
      %get3A_231 = vector.shape_cast %get3A_230 : vector<16xi32> to vector<16xi32>
      %add3A_232 = arith.addi %scan3A_191, %get3A_231 : vector<16xi32>
      %add3A_233 = arith.constant 96 : i32
      %add3A_234 = arith.addi %add3A_197, %add3A_233 : i32
      %get3A_235 = arith.index_cast %add3A_234 : i32 to index
      %get3A_236 = tpu.vector_load %arg4[%get3A_235] {strides = array<i32>} : memref<61440xi32, #tpu.memory_space<vmem>>, vector<16xi32>,
      %get3A_237 = vector.shape_cast %get3A_236 : vector<16xi32> to vector<16xi32>
      %add3A_238 = arith.addi %scan3A_192, %get3A_237 : vector<16xi32>
      %add3A_239 = arith.constant 112 : i32
      %add3A_240 = arith.addi %add3A_197, %add3A_239 : i32
      %get3A_241 = arith.index_cast %add3A_240 : i32 to index
      %get3A_242 = tpu.vector_load %arg4[%get3A_241] {strides = array<i32>} : memref<61440xi32, #tpu.memory_space<vmem>>, vector<16xi32>,
      %get3A_243 = vector.shape_cast %get3A_242 : vector<16xi32> to vector<16xi32>
      %add3A_244 = arith.addi %scan3A_193, %get3A_243 : vector<16xi32>
      scf.yield %add3A_202, %add3A_208, %add3A_214, %add3A_220, %add3A_226, %add3A_232, %add3A_238, %add3A_244 : vector<16xi32>, vector<16xi32>, vector<16xi32>, vector<16xi32>, vector<16xi32>, vector<16xi32>, vector<16xi32>, vector<16xi32>
    }
    %scan3A_174 = arith.constant 60 : i32
    %add3A_175 = arith.addi %scan3A_173#0, %scan3A_173#1 : vector<16xi32>
    %add3A_176 = arith.addi %add3A_175, %scan3A_173#2 : vector<16xi32>
    %add3A_177 = arith.addi %add3A_176, %scan3A_173#3 : vector<16xi32>
    %add3A_178 = arith.addi %add3A_177, %scan3A_173#4 : vector<16xi32>
    %add3A_179 = arith.addi %add3A_178, %scan3A_173#5 : vector<16xi32>
    %add3A_180 = arith.addi %add3A_179, %scan3A_173#6 : vector<16xi32>
    %add3A_181 = arith.addi %add3A_180, %scan3A_173#7 : vector<16xi32>
    %swap3A = arith.constant 0 : index
    %swap3A_182 = tpu.vector_load %arg5[%swap3A] {strides = array<i32>} : memref<16xi32, #tpu.memory_space<vmem>>, vector<16xi32>,
    %swap3A_183 = vector.shape_cast %swap3A_182 : vector<16xi32> to vector<16xi32>
    %swap3A_184 = vector.shape_cast %add3A_181 : vector<16xi32> to vector<16xi32>
    tpu.vector_store %arg5[%swap3A], %swap3A_184 {strides = array<i32>} : memref<16xi32, #tpu.memory_space<vmem>>, vector<16xi32>,
    "tpu.region"() ({
      %run_scoped3A = tpu.sem_alloc : memref<!tpu.dma_semaphore, #tpu.memory_space<semaphore_mem>>
      %dma_start3A_185 = arith.constant 0 : i32
      %dma_start3A_186 = tpu.memref_slice %arg3[%add3A, %dma_start3A_185] : memref<32x16xi32, #tpu.memory_space<hbm>> -> memref<1x16xi32, #tpu.memory_space<hbm>>
      %dma_start3A_187 = tpu.memref_squeeze %dma_start3A_186 : memref<1x16xi32, #tpu.memory_space<hbm>> -> memref<16xi32, #tpu.memory_space<hbm>>
      %dma_start3A_188 = arith.constant 0 : i32
      %dma_start3A_189 = tpu.memref_slice %arg3[%add3A, %dma_start3A_188] : memref<32x16xi32, #tpu.memory_space<hbm>> -> memref<1x16xi32, #tpu.memory_space<hbm>>
      %dma_start3A_190 = tpu.memref_squeeze %dma_start3A_189 : memref<1x16xi32, #tpu.memory_space<hbm>> -> memref<16xi32, #tpu.memory_space<hbm>>
      tpu.enqueue_dma source(%arg5 : memref<16xi32, #tpu.memory_space<vmem>>) target(%dma_start3A_190 : memref<16xi32, #tpu.memory_space<hbm>>) target_semaphore(%run_scoped3A : memref<!tpu.dma_semaphore, #tpu.memory_space<semaphore_mem>>)
      %dma_wait3A_191 = arith.constant 0 : i32
      %dma_wait3A_192 = tpu.memref_slice %arg3[%add3A, %dma_wait3A_191] : memref<32x16xi32, #tpu.memory_space<hbm>> -> memref<1x16xi32, #tpu.memory_space<hbm>>
      %dma_wait3A_193 = tpu.memref_squeeze %dma_wait3A_192 : memref<1x16xi32, #tpu.memory_space<hbm>> -> memref<16xi32, #tpu.memory_space<hbm>>
      %dma_wait3A_194 = arith.constant 0 : i32
      %dma_wait3A_195 = tpu.memref_slice %arg3[%add3A, %dma_wait3A_194] : memref<32x16xi32, #tpu.memory_space<hbm>> -> memref<1x16xi32, #tpu.memory_space<hbm>>
      %dma_wait3A_196 = tpu.memref_squeeze %dma_wait3A_195 : memref<1x16xi32, #tpu.memory_space<hbm>> -> memref<16xi32, #tpu.memory_space<hbm>>
      tpu.wait_dma2 semaphore(%run_scoped3A : memref<!tpu.dma_semaphore, #tpu.memory_space<semaphore_mem>>) src(%arg5 : memref<16xi32, #tpu.memory_space<vmem>>) dst(%dma_wait3A_196 : memref<16xi32, #tpu.memory_space<hbm>>)
      tpu.yield
    }) : () -> ()
    return
  }
}

module attributes {stable_mosaic.version = 14 : i64} {
  func.func @_tc_reduce_body(%arg0: i32, %arg1: memref<2560x128xi32, #tpu.memory_space<vmem>>, %arg2: memref<8x128xi32, #tpu.memory_space<vmem>>) attributes {dimension_semantics = [#tpu.dimension_semantics<arbitrary>], iteration_bounds = array<i64: 4>, scalar_prefetch = 0 : i64, scratch_operands = 0 : i64, tpu.core_type = #tpu.core_type<tc>, window_params = [{transform_indices = @transform_0, window_bounds = array<i64: 2560, 128>}, {pipeline_mode = #tpu.pipeline_mode<synchronous>, transform_indices = @transform_1, window_bounds = array<i64: 8, 128>}]} {
    %eq3A = arith.constant 0 : i32
    %eq3A_0 = arith.cmpi eq, %arg0, %eq3A : i32
    %convert_element_type3A = arith.extui %eq3A_0 : i1 to i32
    %cond3A = arith.constant 0 : i32
    %cond3A_1 = arith.cmpi ne, %convert_element_type3A, %cond3A : i32
    scf.if %cond3A_1 {
      %broadcast_in_dim3A = arith.constant 0 : i32
      %broadcast_in_dim3A_10 = vector.broadcast %broadcast_in_dim3A : i32 to vector<8x128xi32>
      %swap3A_11 = arith.constant 0 : index
      %swap3A_12 = arith.constant 0 : index
      %swap3A_13 = vector.load %arg2[%swap3A_11, %swap3A_12] : memref<8x128xi32, #tpu.memory_space<vmem>>, vector<8x128xi32>
      tpu.vector_store %arg2[%swap3A_11, %swap3A_12], %broadcast_in_dim3A_10 {strides = array<i32>} : memref<8x128xi32, #tpu.memory_space<vmem>>, vector<8x128xi32>,
    } else {
    }
    %get3A = arith.constant 0 : index
    %get3A_2 = arith.constant 0 : index
    %get3A_3 = vector.load %arg1[%get3A, %get3A_2] : memref<2560x128xi32, #tpu.memory_space<vmem>>, vector<2560x128xi32>
    %reshape3A = vector.shape_cast %get3A_3 : vector<2560x128xi32> to vector<320x8x128xi32>
    %get3A_4 = arith.constant 0 : index
    %get3A_5 = arith.constant 0 : index
    %get3A_6 = vector.load %arg2[%get3A_4, %get3A_5] : memref<8x128xi32, #tpu.memory_space<vmem>>, vector<8x128xi32>
    %reduce_sum3A = arith.constant dense<0> : vector<8x128xi32>
    %reduce_sum3A_7 = vector.multi_reduction <add>, %reshape3A, %reduce_sum3A [0] : vector<320x8x128xi32> to vector<8x128xi32>
    %add3A = arith.addi %get3A_6, %reduce_sum3A_7 : vector<8x128xi32>
    %swap3A = arith.constant 0 : index
    %swap3A_8 = arith.constant 0 : index
    %swap3A_9 = vector.load %arg2[%swap3A, %swap3A_8] : memref<8x128xi32, #tpu.memory_space<vmem>>, vector<8x128xi32>
    tpu.vector_store %arg2[%swap3A, %swap3A_8], %add3A {strides = array<i32>} : memref<8x128xi32, #tpu.memory_space<vmem>>, vector<8x128xi32>,
    return
  }
  func.func @transform_0(%arg0: i32) -> (i32, i32) {
    %add3A = arith.constant 6 : i32
    %add3A_0 = arith.addi %add3A, %arg0 : i32
    %c0_i32 = arith.constant 0 : i32
    %c0_i32_1 = arith.constant 0 : i32
    return %add3A_0, %c0_i32 : i32, i32
  }
  func.func @transform_1(%arg0: i32) -> (i32, i32) {
    %c0_i32 = arith.constant 0 : i32
    %c0_i32_0 = arith.constant 0 : i32
    %c0_i32_1 = arith.constant 0 : i32
    return %c0_i32, %c0_i32_0 : i32, i32
  }
}

module attributes {stable_mosaic.version = 14 : i64} {
  func.func @_combine_body(%arg0: memref<32x16xi32, #tpu.memory_space<vmem>>, %arg1: memref<8x128xi32, #tpu.memory_space<vmem>>, %arg2: memref<2x3xf32, #tpu.memory_space<vmem>>, %arg3: memref<1x3xf32, #tpu.memory_space<vmem>>) attributes {dimension_semantics = [], scalar_prefetch = 0 : i64, scratch_operands = 0 : i64, tpu.core_type = #tpu.core_type<tc>} {
    %get3A = arith.constant 0 : index
    %get3A_0 = arith.constant 0 : index
    %get3A_1 = vector.load %arg0[%get3A, %get3A_0] : memref<32x16xi32, #tpu.memory_space<vmem>>, vector<32x16xi32>
    %reduce_sum3A = vector.shape_cast %get3A_1 : vector<32x16xi32> to vector<1x32x16xi32>
    %reduce_sum3A_2 = arith.constant dense<0> : vector<1xi32>
    %reduce_sum3A_3 = vector.multi_reduction <add>, %reduce_sum3A, %reduce_sum3A_2 [1, 2] : vector<1x32x16xi32> to vector<1xi32>
    %reduce_sum3A_4 = vector.shape_cast %reduce_sum3A_3 : vector<1xi32> to vector<1x1x1xi32>
    %reduce_sum3A_5 = vector.extract %reduce_sum3A_4[0, 0, 0] : i32 from vector<1x1x1xi32>
    %get3A_6 = arith.constant 0 : index
    %get3A_7 = arith.constant 0 : index
    %get3A_8 = vector.load %arg1[%get3A_6, %get3A_7] : memref<8x128xi32, #tpu.memory_space<vmem>>, vector<8x128xi32>
    %reduce_sum3A_9 = vector.shape_cast %get3A_8 : vector<8x128xi32> to vector<1x8x128xi32>
    %reduce_sum3A_10 = arith.constant dense<0> : vector<1xi32>
    %reduce_sum3A_11 = vector.multi_reduction <add>, %reduce_sum3A_9, %reduce_sum3A_10 [1, 2] : vector<1x8x128xi32> to vector<1xi32>
    %reduce_sum3A_12 = vector.shape_cast %reduce_sum3A_11 : vector<1xi32> to vector<1x1x1xi32>
    %reduce_sum3A_13 = vector.extract %reduce_sum3A_12[0, 0, 0] : i32 from vector<1x1x1xi32>
    %add3A = arith.addi %reduce_sum3A_5, %reduce_sum3A_13 : i32
    %convert_element_type3A = arith.sitofp %add3A : i32 to f32
    %mul3A = arith.constant 3.05175774E-7 : f32
    %mul3A_14 = arith.mulf %convert_element_type3A, %mul3A : f32
    %get3A_15 = arith.constant 0 : index
    %get3A_16 = arith.constant 0 : index
    %get3A_17 = vector.load %arg2[%get3A_15, %get3A_16] : memref<2x3xf32, #tpu.memory_space<vmem>>, vector<2x3xf32>
    %sub3A = arith.constant 1.000000e+00 : f32
    %sub3A_18 = arith.subf %sub3A, %mul3A_14 : f32
    %slice3A = vector.extract_strided_slice %get3A_17 {offsets = [0, 0], sizes = [1, 3], strides = [1, 1]} : vector<2x3xf32> to vector<1x3xf32>
    %mul3A_19 = vector.broadcast %sub3A_18 : f32 to vector<1x3xf32>
    %mul3A_20 = arith.mulf %mul3A_19, %slice3A : vector<1x3xf32>
    %slice3A_21 = vector.extract_strided_slice %get3A_17 {offsets = [1, 0], sizes = [1, 3], strides = [1, 1]} : vector<2x3xf32> to vector<1x3xf32>
    %mul3A_22 = vector.broadcast %mul3A_14 : f32 to vector<1x3xf32>
    %mul3A_23 = arith.mulf %mul3A_22, %slice3A_21 : vector<1x3xf32>
    %add3A_24 = arith.addf %mul3A_20, %mul3A_23 : vector<1x3xf32>
    %swap3A = arith.constant 0 : index
    %swap3A_25 = arith.constant 0 : index
    %swap3A_26 = vector.load %arg3[%swap3A, %swap3A_25] : memref<1x3xf32, #tpu.memory_space<vmem>>, vector<1x3xf32>
    tpu.vector_store %arg3[%swap3A, %swap3A_25], %add3A_24 {strides = array<i32>} : memref<1x3xf32, #tpu.memory_space<vmem>>, vector<1x3xf32>,
    return
  }
}

</mosaic_0001>

<sc_bundles>
// kernel: kernel.5.cloned.1.call-start
scs
__scs_entry_jumppad:
0x0: {  	(pc) =	sbr.rel $0x88, $3  }
0x1: {  	(tag) =	ssettag $0x0;
	lr =	simm.s32 $0x1  }
0x2: {  	[smem:$0x3F9F] =	sst lr;
	_ =	strace $0xD0000000  }
0x3: {  	_ = 	snop  }
0x4: {  	_ = 	snop  }
0x5: {  	_ = 	snop  }
0x6: {  	_ = 	snop  }
0x7: {  	_ = 	snop  }
__scs_overlays_trampoline_lowered:
0x8: {  	[smem:$0x3FAE] =	sst s0  }
0x9: {  	[smem:$0x3FAF] =	sst s1  }
0xa: {  	[smem:$0x3FB0] =	sst s2  }
0xb: {  	[smem:$0x3FB1] =	sst s3  }
0xc: {  	[smem:$0x3FB2] =	sst s4  }
0xd: {  	[smem:$0x3FB3] =	sst s5  }
0xe: {  	[smem:$0x3FB4] =	sst s6  }
0xf: {  	[smem:$0x3FB5] =	sst s7  }
0x10: {  	[smem:$0x3FB6] =	sst s8  }
0x11: {  	[smem:$0x3FB7] =	sst s9;
	s0 =	simm.s32 @!p0 $0x0  }
0x12: {  	s1 =	sld [smem:$0x3F9D];
	s0 =	simm.s32 @p0 $0x1  }
0x13: {  	[smem:$0x3FB8] =	sst s0;
	s0 =	simm.s32 @!p1 $0x0  }
0x14: {  	s2 =	sld [smem:$0x3F9C];
	s0 =	simm.s32 @p1 $0x1  }
0x15: {  	[smem:$0x3FB9] =	sst s0;
	s0 =	simm.s32 @!p2 $0x0  }
0x16: {  	s3 =	sld [smem:$0x3FDB];
	s0 =	simm.s32 @p2 $0x1  }
0x17: {  	s4 =	simm.s32 $0x1BF5;
	[smem:$0x3FBB] =	sst s0  }
0x18: {  	s0 =	sld [smem:$0x3F9E];
	_ =	swait.ge [sflag:s4], $0x0  }
0x19: {  	s7 =	sld [smem:$0x3F9F]  }
0x1a: {  	s8 =	sadd.s32 $0xFFFFE003, lr  }
0x1b: {  	s9 =	sadd.s32 $0xFFFFFEF7, lr;
	s5 =	simm.s32 $0xFFFFFFFF;
	p2 =	slt.u32 s8, $0xFFFFF086  }
0x1c: {  	p1 =	slt.u32 s9, $0xF7A;
	s5 =	simm.s32 @!p2 $0x0  }
0x1d: {  	s5 =	simm.s32 @p1 $0x1;
	p0 =	seq.s32 s7, s2  }
0x1e: {  	s7 =	smul.u32 @!p0 $0xF7A, s2;
	p2 =	seq.s32 @!p0 s5, $0x0  }
0x1f: {  	s9 =	smul.u32 $0xF7A, s1;
	s8 =	simm.s32 @!p0 $0x1BF5;
	p2 =	por !p2, p0  }
0x20: {  	[sflag:s8] =	ssyncset.s32 @!p0 $0xFFFFF086;
	s6 =	sadd.s32 @!p0 s3, s7;
	s7 =	simm.s32 @!p0 $0x108  }
0x21: {  	s3 =	sadd.s32 s3, s9;
	s6 =	sadd.s32 @!p0 $0x88, s6;
	s7 =	simm.s32 @p2 $0x1082  }
0x22: {  	[simem:s7], [sflag:s8] =	dma.local @!p0 [hbm:s6], $0xF7A  }
0x23: {  	s9 =	sor.u32 $0xD0000000, s2;
	s6 =	simm.s32 $0x108;
	_ =	swait.ge @!p0 [sflag:s8], $0x0  }
0x24: {  	s3 =	sadd.s32 $0x88, s3;
	s6 =	simm.s32 @!p1 $0x1082;
	[sflag:s4] =	ssyncset.s32 $0xFFFFF086  }
0x25: {  	[simem:s6], [sflag:s4] =	dma.local [hbm:s3], $0xF7A  }
0x26: {  	[smem:$0x3F9F] =	sst s1;
	(tag) =	ssettag s2;
	_ =	strace s9  }
0x27: {  	s1 =	sld [smem:$0x3FAF]  }
0x28: {  	s2 =	sld [smem:$0x3FB0]  }
0x29: {  	s4 =	sld [smem:$0x3FB2]  }
0x2a: {  	p0 =	seq.s32 s5, $0x0;
	s5 =	sld [smem:$0x3FB3]  }
0x2b: {  	s6 =	sld [smem:$0x3FB4]  }
0x2c: {  	s7 =	sld [smem:$0x3FB5]  }
0x2d: {  	s3 =	simm.s32 $0x108;
	s8 =	sld [smem:$0x3FB6]  }
0x2e: {  	s3 =	simm.s32 @!p0 $0x1082;
	s9 =	sld [smem:$0x3FB7]  }
0x2f: {  	lr =	sadd.s32 s0, s3;
	s0 =	sld [smem:$0x3FAE]  }
0x30: {  	s3 =	sld [smem:$0x3FB1]  }
0x31: {  	[smem:$0x3FBA] =	sst s10  }
0x32: {  	s10 =	sld [smem:$0x3FB8];
	_ =	sdelay $0x3  }
0x33: {  	p0 =	seq.s32 s10, $0x1;
	s10 =	sld [smem:$0x3FBA];
	_ =	sdelay $0x3  }
0x34: {  	[smem:$0x3FBA] =	sst s10  }
0x35: {  	s10 =	sld [smem:$0x3FB9];
	_ =	sdelay $0x3  }
0x36: {  	p1 =	seq.s32 s10, $0x1;
	s10 =	sld [smem:$0x3FBA];
	_ =	sdelay $0x3  }
0x37: {  	[smem:$0x3FBA] =	sst s10  }
0x38: {  	s10 =	sld [smem:$0x3FBB]  }
0x39: {  	_ = 	snop;
	(pc) =	sbr.ind lr, $3  }
0x3a: {  	_ = 	snop  }
0x3b: {  	_ = 	snop  }
0x3c: {  	p2 =	seq.s32 s10, $0x1;
	s10 =	sld [smem:$0x3FBA]  }
0x3d: {  	_ =	shalt  }
0x3e: {  	_ =	shalt  }
0x3f: {  	_ =	shalt  }
0x40: {  	_ =	shalt  }
0x41: {  	_ =	shalt  }
0x42: {  	_ =	shalt  }
0x43: {  	_ =	shalt  }
0x44: {  	_ =	shalt  }
0x45: {  	_ =	shalt  }
0x46: {  	_ =	shalt  }
0x47: {  	_ =	shalt  }
0x48: {  	_ =	shalt  }
0x49: {  	_ =	shalt  }
0x4a: {  	_ =	shalt  }
0x4b: {  	_ =	shalt  }
0x4c: {  	_ =	shalt  }
0x4d: {  	_ =	shalt  }
0x4e: {  	_ =	shalt  }
0x4f: {  	_ =	shalt  }
0x50: {  	_ =	shalt  }
0x51: {  	_ =	shalt  }
0x52: {  	_ =	shalt  }
0x53: {  	_ =	shalt  }
0x54: {  	_ =	shalt  }
0x55: {  	_ =	shalt  }
0x56: {  	_ =	shalt  }
0x57: {  	_ =	shalt  }
0x58: {  	_ =	shalt  }
0x59: {  	_ =	shalt  }
0x5a: {  	_ =	shalt  }
0x5b: {  	_ =	shalt  }
0x5c: {  	_ =	shalt  }
0x5d: {  	_ =	shalt  }
0x5e: {  	_ =	shalt  }
0x5f: {  	_ =	shalt  }
0x60: {  	_ =	shalt  }
0x61: {  	_ =	shalt  }
0x62: {  	_ =	shalt  }
0x63: {  	_ =	shalt  }
0x64: {  	_ =	shalt  }
0x65: {  	_ =	shalt  }
0x66: {  	_ =	shalt  }
0x67: {  	_ =	shalt  }
0x68: {  	_ =	shalt  }
0x69: {  	_ =	shalt  }
0x6a: {  	_ =	shalt  }
0x6b: {  	_ =	shalt  }
0x6c: {  	_ =	shalt  }
0x6d: {  	_ =	shalt  }
0x6e: {  	_ =	shalt  }
0x6f: {  	_ =	shalt  }
0x70: {  	_ =	shalt  }
0x71: {  	_ =	shalt  }
0x72: {  	_ =	shalt  }
0x73: {  	_ =	shalt  }
0x74: {  	_ =	shalt  }
0x75: {  	_ =	shalt  }
0x76: {  	_ =	shalt  }
0x77: {  	_ =	shalt  }
0x78: {  	_ =	shalt  }
0x79: {  	_ =	shalt  }
0x7a: {  	_ =	shalt  }
0x7b: {  	_ =	shalt  }
0x7c: {  	_ =	shalt  }
0x7d: {  	_ =	shalt  }
0x7e: {  	_ =	shalt  }
0x7f: {  	_ =	shalt  }
0x80: {  	_ =	shalt  }
0x81: {  	_ =	shalt  }
0x82: {  	_ =	shalt  }
0x83: {  	_ =	shalt  }
0x84: {  	_ =	shalt  }
0x85: {  	_ =	shalt  }
0x86: {  	_ =	shalt  }
0x87: {  	_ =	shalt  }
.Lfunc_end0:
.L_simem_size_0:
called_computation_lowered:
.L_overlay_start_0:
0x88: {  	s2 =	sld [smem:$0x3FD9]  }
0x89: {  	s3 =	sld [smem:$0x3FFE];
	_ =	sdelay $0x1  }
0x8a: {  	s1 =	srdreg.scid  }
0x8b: {  	s0 =	sand.u32 $0x1, s1  }
0x8c: {  	s17 =	sshll.u32 s0, $0xA;
	s2 =	sadd.s32 s3, s2  }
0x8d: {  	s2 =	sadd.s32 s2, s17  }
0x8e: {  	[smem:$0x3FC6] =	sst s2  }
0x8f: {  	_ = 	snop  }
0x90: {  	s2 =	sld [smem:$0x3FC9];
	(tm) =	ssettm $0x1  }
0x91: {  	s18 =	sld [smem:$0x3FFB];
	_ =	sdelay $0x3  }
0x92: {  	_ =	strace s18  }
0x93: {  	s3 =	sld [smem:$0x3FFC];
	_ =	sdelay $0x3  }
0x94: {  	_ =	strace s3  }
0x95: {  	s3 =	sld [smem:$0x3FFD];
	_ =	sdelay $0x3  }
0x96: {  	_ =	strace s3  }
0x97: {  	_ =	strace $0x8FFFFFFF  }
0x98: {  	s19 =	sld [smem:$0x3FDB];
	_ =	sdelay $0x1  }
0x99: {  	s4 =	simm.s32 $_scs_section_size  }
0x9a: {  	s5 =	simm.s32 $_size__tile_overlayer_lowered;
	s6 =	simm.s32 $_tile_overlayer_lowered  }
0x9b: {  	s22 =	simm.s32 $0x1BFF;
	s21 =	sshll.u32 s6, $0x1;
	s3 =	sadd.s32 s4, s19  }
0x9c: {  	s7 =	simm.s32 $0x0;
	s20 =	sshll.u32 s5, $0x1;
	s5 =	sadd.s32 s21, s3  }
0x9d: {  	[timem:s7], [sflag:s22] =	dma.local [hbm:s5], s20  }
0x9e: {  	_ =	swait.ge [sflag:s22], s20  }
0x9f: {  	s4 =	ssub.s32 $0x0, s20;
	[sflag:s22] =	ssyncset.done $0x0  }
0xa0: {  	[sflag:s22] =	ssyncadd.s32 s4;
	_ =	sdelay $0x1  }
0xa1: {  	s23 =	simm.s32 $0x1B8B  }
0xa2: {  	_ =	swait.ge [sflag:s23], $0x1  }
0xa3: {  	[sflag:s23] =	ssyncset.done $0x0  }
0xa4: {  	s25 =	simm.s32 $0x1B8E;
	s24 =	sld [smem:$0x3FFE];
	[sflag:s23] =	ssyncadd.s32 $0xFFFFFFFF  }
0xa5: {  	s26 =	simm.s32 $execute0_lowered;
	[smem:$0x3FD2] =	sst s25  }
0xa6: {  	s5 =	sshll.u32 s26, $0x1;
	_ =	strace $0x80000046;
	[dreg:$0x1] =	wrdreg $0xFFFFFFFF  }
0xa7: {  	s28 =	simm.s32 $_size_execute0_lowered;
	s3 =	sadd.s32 s3, s5;
	[dreg:$0x0] =	wrdreg $0x0  }
0xa8: {  	s5 =	sshll.u32 s28, $0x1;
	[dreg:$0x2] =	wrdreg s3  }
0xa9: {  	[dreg:$0x3] =	wrdreg s5  }
0xaa: {  	[dreg:$0x4] =	wrdreg $0xC0  }
0xab: {  	_ =	task [dreg:s7], $0x5FFFF  }
0xac: {  	[dreg:$0x1] =	wrdreg $0xFFFFFFFF  }
0xad: {  	[dreg:$0x0] =	wrdreg $0x60  }
0xae: {  	[dreg:$0x2] =	wrdreg s2  }
0xaf: {  	[dreg:$0x3] =	wrdreg s24  }
0xb0: {  	[dreg:$0x4] =	wrdreg $0x9  }
0xb1: {  	_ =	task.clear_ibuf [dreg:s7], $0x5FFFF;
	_ =	strace $0x90000046  }
0xb2: {  	s29 =	simm.s32 $0x9;
	_ =	strace $0x80000048  }
0xb3: {  	_ =	swait.ge [sflag:s29], $0x1  }
0xb4: {  	[sflag:s29] =	ssyncadd.s32 $0xFFFFFFFF  }
0xb5: {  	_ =	strace $0x90000048  }
0xb6: {  	_ =	sfence  }
0xb7: {  	s30 =	sld [smem:$0x0];
	_ =	sdelay $0x2  }
0xb8: {  	s31 =	sshll.u32 s1, $0xD;
	s1 =	sshrl.u32 s1, $0x2  }
0xb9: {  	s3 =	sand.u32 $0x4000, s31;
	s1 =	sadd.s32 s1, s30  }
0xba: {  	s0 =	sor.u32 s3, s0;
	s1 =	sshll.u32 s1, $0x11  }
0xbb: {  	s0 =	sor.u32 s1, s0  }
0xbc: {  	s0 =	sadd.s32 $0x8F2B, s0  }
0xbd: {  	[sflag:s0] =	ssyncadd.remote.s32 $0x1  }
0xbe: {  	_ =	sfence.sel $0xFFFF  }
0xbf: {  	[dreg:$0x0] =	wrdreg $0xFFFFFFFF;
	(pc) =	sbr.abs _section_cstart, $3  }
0xc0: {  	[dreg:$0x1] =	wrdreg $0xFFFFFFFF  }
0xc1: {  	_ =	task.clear_ibuf [dreg:s7], $0x2FFFF;
	_ =	strace $0x9FFFFFFF  }
0xc2: {  	(tm) =	ssettm $0x7FFFFFFF  }
0xc3: {  	_ =	shalt  }
tec
execute0_lowered:
.L_overlay_start_1:
0x0: {  	(tag) =	ssettag $0x1  }
0x1: {  	s0 =	rddreg [dreg:$0x0];
	s1 =	srdreg.scid  }
0x2: {  	s2 =	stileid.u32;
	s3 =	rddreg [dreg:$0x1];
	s14 =	simm.s32 $0x3C00  }
0x3: {  	s15 =	simm.s32 $0x5A00;
	s16 =	simm.s32 $0x7800;
	s17 =	simm.s32 $0x9600  }
0x4: {  	s18 =	simm.s32 $0xB400;
	s19 =	simm.s32 $0xD200;
	s20 =	simm.s32 $0x1  }
0x5: {  	s21 =	simm.s32 $0x2;
	s22 =	simm.s32 $0x3;
	s23 =	simm.s32 $0x4  }
0x6: {  	s24 =	simm.s32 $0x5;
	s25 =	simm.s32 $0x6;
	s26 =	simm.s32 $0x7  }
0x7: {  	s28 =	simm.s32 $0x8;
	s1 =	sand.u32 $0x1, s1;
	s4 =	sshll.u32 s2, $0x1  }
0x8: {  	s29 =	simm.s32 $0xF000;
	s2 =	simm.s32 $0x0;
	s4 =	sor.u32 s1, s4  }
0x9: {  	s30 =	simm.s32 $0x9;
	[smem:$0x7FF] =	sst s2;
	s5 =	smul.u32 $0xF000, s4  }
0xa: {  	s31 =	simm.s32 $0x0;
	s1 =	ssub.s32 $0x2, s1;
	_ =	strace $0x80000047  }
0xb: {  	s4 =	sshll.u32 s4, $0x4;
	s6 =	sshrl.u32 s1, $0x1;
	s5 =	sshrl.u32 s5, $0x3  }
0xc: {  	s11 =	sadd.s32 s4, s3;
	s1 =	ssub.s32 s1, s6;
	s3 =	sadd.s32 s0, s5  }
0xd: {  	s11 =	sadd.s32 $0xA00, s11;
	s12 =	smax.u32 s1, $0x1;
	s4 =	sadd.s32 $0x3C0, s3  }
0xe: {  	s5 =	sadd.s32 $0x780, s3;
	s6 =	sadd.s32 $0xB40, s3;
	s7 =	sadd.s32 $0xF00, s3  }
0xf: {  	s8 =	sadd.s32 $0x12C0, s3;
	s9 =	sadd.s32 $0x1680, s3;
	s10 =	sadd.s32 $0x1A40, s3  }
.LBB2_1:
0x10: {  	[tilespmem:s2], [sflag:$0x1] =	stream.linear.gather [hbm4b:s3+s2], $0x1E00, $0x38;
	[tilespmem:$0xF080] =	vst v63  }
0x11: {  	s0 =	simm.s32 $0x1E00  }
0x12: {  	[tilespmem:s0], [sflag:$0x2] =	stream.linear.gather [hbm4b:s4+s2], $0x1E00, $0x38;
	[tilespmem:$0xF080] =	vst v63  }
0x13: {  	_ = 	snop  }
0x14: {  	[tilespmem:s14], [sflag:$0x3] =	stream.linear.gather [hbm4b:s5+s2], $0x1E00, $0x38;
	[tilespmem:$0xF080] =	vst v63  }
0x15: {  	_ = 	snop  }
0x16: {  	[tilespmem:s15], [sflag:$0x4] =	stream.linear.gather [hbm4b:s6+s2], $0x1E00, $0x38;
	[tilespmem:$0xF080] =	vst v63  }
0x17: {  	_ = 	snop  }
0x18: {  	[tilespmem:s16], [sflag:$0x5] =	stream.linear.gather [hbm4b:s7+s2], $0x1E00, $0x38;
	[tilespmem:$0xF080] =	vst v63  }
0x19: {  	_ = 	snop  }
0x1a: {  	[tilespmem:s17], [sflag:$0x6] =	stream.linear.gather [hbm4b:s8+s2], $0x1E00, $0x38;
	[tilespmem:$0xF080] =	vst v63  }
0x1b: {  	_ = 	snop  }
0x1c: {  	[tilespmem:s18], [sflag:$0x7] =	stream.linear.gather [hbm4b:s9+s2], $0x1E00, $0x38;
	[tilespmem:$0xF080] =	vst v63  }
0x1d: {  	_ = 	snop  }
0x1e: {  	[tilespmem:s19], [sflag:$0x8] =	stream.linear.gather [hbm4b:s10+s2], $0x1E00, $0x38;
	[tilespmem:$0xF080] =	vst v63  }
0x1f: {  	_ =	swait.ge [sflag:s20], $0x1E00  }
0x20: {  	[sflag:s20] =	ssyncset.done $0x0  }
0x21: {  	s13 =	simm.s32 $0x0;
	[sflag:s20] =	ssyncadd.s32 $0xFFFFE200  }
0x22: {  	v0 =	vld [tilespmem:s13+$0x70]  }
0x23: {  	v1 =	vld [tilespmem:s13+$0x0]  }
0x24: {  	v2 =	vld [tilespmem:s13+$0x10]  }
0x25: {  	v5 =	vld [tilespmem:s13+$0x20]  }
0x26: {  	v6 =	vld [tilespmem:s13+$0x30]  }
0x27: {  	v3 =	vimm.s32 $0x0;
	v4 =	vimm.s32 $0x0;
	v7 =	vld [tilespmem:s13+$0x40]  }
0x28: {  	v8 =	vimm.s32 $0x0;
	v10 =	vimm.s32 $0x0;
	v9 =	vimm.s32 $0x0;
	v11 =	vld [tilespmem:s13+$0x50]  }
0x29: {  	s1 =	simm.s32 $0x80;
	s0 =	simm.s32 $0x400;
	v12 =	vld [tilespmem:s13+$0x60];
	v0 =	vadd.s32 v3, v0;
	v1 =	vadd.s32 v3, v1;
	v2 =	vadd.s32 v3, v2  }
.LBB2_2:
0x2a: {  	p0 =	sne.s32 s0, $0x7600;
	v13 =	vld [tilespmem:s1+$0x70];
	v3 =	vadd.s32 v3, v5  }
0x2b: {  	v14 =	vld [tilespmem:s1+$0x0];
	v4 =	vadd.s32 v4, v6  }
0x2c: {  	v15 =	vld [tilespmem:s1+$0x10];
	v8 =	vadd.s32 v8, v7  }
.Ltmp0:
0x2d: {  	v5 =	vld [tilespmem:s1+$0x20];
	v10 =	vadd.s32 v10, v11;
	(pc) =	sbr.rel @p0 .LBB2_2-.Ltmp0, $4  }
0x2e: {  	v6 =	vld [tilespmem:s1+$0x30];
	v9 =	vadd.s32 v9, v12  }
0x2f: {  	v7 =	vld [tilespmem:s1+$0x40];
	v0 =	vadd.s32 v0, v13  }
0x30: {  	v1 =	vadd.s32 v1, v14;
	v11 =	vld [tilespmem:s1+$0x50]  }
0x31: {  	v2 =	vadd.s32 v2, v15;
	v12 =	vld [tilespmem:s1+$0x60];
	s1 =	sshra.s32 s0, $0x2;
	s0 =	sadd.s32 $0x200, s0  }
0x32: {  	v13 =	vld [tilespmem:s1+$0x70]  }
0x33: {  	v14 =	vld [tilespmem:s1+$0x0]  }
0x34: {  	v15 =	vld [tilespmem:s1+$0x10]  }
0x35: {  	v16 =	vld [tilespmem:s1+$0x20]  }
0x36: {  	v17 =	vld [tilespmem:s1+$0x30]  }
0x37: {  	v18 =	vld [tilespmem:s1+$0x40]  }
0x38: {  	v19 =	vld [tilespmem:s1+$0x50]  }
0x39: {  	v20 =	vld [tilespmem:s1+$0x60];
	_ =	swait.ge [sflag:s21], $0x1E00  }
0x3a: {  	[sflag:s21] =	ssyncset.done $0x0  }
0x3b: {  	s13 =	simm.s32 $0x0;
	[sflag:s21] =	ssyncadd.s32 $0xFFFFE200  }
0x3c: {  	v21 =	vld [tilespmem:s13+$0x1E70]  }
0x3d: {  	v22 =	vld [tilespmem:s13+$0x1E00]  }
0x3e: {  	v3 =	vadd.s32 v3, v5;
	v23 =	vld [tilespmem:s13+$0x1E10]  }
0x3f: {  	v4 =	vadd.s32 v4, v6;
	v5 =	vadd.s32 v8, v7;
	v6 =	vadd.s32 v10, v11;
	v8 =	vld [tilespmem:s13+$0x1E20]  }
0x40: {  	v7 =	vadd.s32 v9, v12;
	v9 =	vld [tilespmem:s13+$0x1E30];
	v12 =	vadd.s32 v0, v13;
	v13 =	vadd.s32 v1, v14  }
0x41: {  	v10 =	vld [tilespmem:s13+$0x1E40];
	v14 =	vadd.s32 v2, v15;
	v2 =	vadd.s32 v3, v16;
	v0 =	vadd.s32 v4, v17  }
0x42: {  	v11 =	vld [tilespmem:s13+$0x1E50];
	v3 =	vadd.s32 v5, v18;
	v4 =	vadd.s32 v6, v19;
	v1 =	vadd.s32 v7, v20  }
0x43: {  	s1 =	simm.s32 $0x80;
	s0 =	simm.s32 $0x400;
	v5 =	vadd.s32 v12, v21;
	v6 =	vadd.s32 v13, v22;
	v7 =	vadd.s32 v14, v23;
	v12 =	vld [tilespmem:s13+$0x1E60]  }
.LBB2_4:
0x44: {  	p0 =	sne.s32 s0, $0x7600;
	v13 =	vld [tilespmem:s1+$0x1E70];
	v2 =	vadd.s32 v2, v8  }
0x45: {  	v14 =	vld [tilespmem:s1+$0x1E00];
	v0 =	vadd.s32 v0, v9  }
0x46: {  	v15 =	vld [tilespmem:s1+$0x1E10];
	v3 =	vadd.s32 v3, v10  }
.Ltmp1:
0x47: {  	v8 =	vld [tilespmem:s1+$0x1E20];
	v4 =	vadd.s32 v4, v11;
	(pc) =	sbr.rel @p0 .LBB2_4-.Ltmp1, $4  }
0x48: {  	v9 =	vld [tilespmem:s1+$0x1E30];
	v1 =	vadd.s32 v1, v12  }
0x49: {  	v10 =	vld [tilespmem:s1+$0x1E40];
	v5 =	vadd.s32 v5, v13  }
0x4a: {  	v6 =	vadd.s32 v6, v14;
	v11 =	vld [tilespmem:s1+$0x1E50]  }
0x4b: {  	v7 =	vadd.s32 v7, v15;
	v12 =	vld [tilespmem:s1+$0x1E60];
	s1 =	sshra.s32 s0, $0x2;
	s0 =	sadd.s32 $0x200, s0  }
0x4c: {  	v13 =	vld [tilespmem:s1+$0x1E70]  }
0x4d: {  	v14 =	vld [tilespmem:s1+$0x1E00]  }
0x4e: {  	v15 =	vld [tilespmem:s1+$0x1E10]  }
0x4f: {  	v16 =	vld [tilespmem:s1+$0x1E20]  }
0x50: {  	v17 =	vld [tilespmem:s1+$0x1E30]  }
0x51: {  	v18 =	vld [tilespmem:s1+$0x1E40]  }
0x52: {  	v19 =	vld [tilespmem:s1+$0x1E50]  }
0x53: {  	v20 =	vld [tilespmem:s1+$0x1E60];
	_ =	swait.ge [sflag:s22], $0x1E00  }
0x54: {  	[sflag:s22] =	ssyncset.done $0x0  }
0x55: {  	s13 =	simm.s32 $0x0;
	[sflag:s22] =	ssyncadd.s32 $0xFFFFE200  }
0x56: {  	v21 =	vld [tilespmem:s13+$0x3C70]  }
0x57: {  	v22 =	vld [tilespmem:s13+$0x3C00]  }
0x58: {  	v2 =	vadd.s32 v2, v8;
	v23 =	vld [tilespmem:s13+$0x3C10]  }
0x59: {  	v0 =	vadd.s32 v0, v9;
	v3 =	vadd.s32 v3, v10;
	v4 =	vadd.s32 v4, v11;
	v8 =	vld [tilespmem:s13+$0x3C20]  }
0x5a: {  	v9 =	vld [tilespmem:s13+$0x3C30];
	v1 =	vadd.s32 v1, v12;
	v5 =	vadd.s32 v5, v13;
	v6 =	vadd.s32 v6, v14  }
0x5b: {  	v10 =	vld [tilespmem:s13+$0x3C40];
	v7 =	vadd.s32 v7, v15;
	v2 =	vadd.s32 v2, v16;
	v0 =	vadd.s32 v0, v17  }
0x5c: {  	v11 =	vld [tilespmem:s13+$0x3C50];
	v3 =	vadd.s32 v3, v18;
	v4 =	vadd.s32 v4, v19;
	v1 =	vadd.s32 v1, v20  }
0x5d: {  	s1 =	simm.s32 $0x80;
	s0 =	simm.s32 $0x400;
	v12 =	vld [tilespmem:s13+$0x3C60];
	v5 =	vadd.s32 v5, v21;
	v6 =	vadd.s32 v6, v22;
	v7 =	vadd.s32 v7, v23  }
.LBB2_6:
0x5e: {  	p0 =	sne.s32 s0, $0x7600;
	v13 =	vld [tilespmem:s1+$0x3C70];
	v2 =	vadd.s32 v2, v8  }
0x5f: {  	v14 =	vld [tilespmem:s1+$0x3C00];
	v0 =	vadd.s32 v0, v9  }
0x60: {  	v15 =	vld [tilespmem:s1+$0x3C10];
	v3 =	vadd.s32 v3, v10  }
.Ltmp2:
0x61: {  	v8 =	vld [tilespmem:s1+$0x3C20];
	v4 =	vadd.s32 v4, v11;
	(pc) =	sbr.rel @p0 .LBB2_6-.Ltmp2, $4  }
0x62: {  	v9 =	vld [tilespmem:s1+$0x3C30];
	v1 =	vadd.s32 v1, v12  }
0x63: {  	v10 =	vld [tilespmem:s1+$0x3C40];
	v5 =	vadd.s32 v5, v13  }
0x64: {  	v6 =	vadd.s32 v6, v14;
	v11 =	vld [tilespmem:s1+$0x3C50]  }
0x65: {  	v7 =	vadd.s32 v7, v15;
	v12 =	vld [tilespmem:s1+$0x3C60];
	s1 =	sshra.s32 s0, $0x2;
	s0 =	sadd.s32 $0x200, s0  }
0x66: {  	v13 =	vld [tilespmem:s1+$0x3C70]  }
0x67: {  	v14 =	vld [tilespmem:s1+$0x3C00]  }
0x68: {  	v15 =	vld [tilespmem:s1+$0x3C10]  }
0x69: {  	v16 =	vld [tilespmem:s1+$0x3C20]  }
0x6a: {  	v17 =	vld [tilespmem:s1+$0x3C30]  }
0x6b: {  	v18 =	vld [tilespmem:s1+$0x3C40]  }
0x6c: {  	v19 =	vld [tilespmem:s1+$0x3C50]  }
0x6d: {  	v20 =	vld [tilespmem:s1+$0x3C60];
	_ =	swait.ge [sflag:s23], $0x1E00  }
0x6e: {  	[sflag:s23] =	ssyncset.done $0x0  }
0x6f: {  	s13 =	simm.s32 $0x0;
	[sflag:s23] =	ssyncadd.s32 $0xFFFFE200  }
0x70: {  	v21 =	vld [tilespmem:s13+$0x5A70]  }
0x71: {  	v22 =	vld [tilespmem:s13+$0x5A00]  }
0x72: {  	v2 =	vadd.s32 v2, v8;
	v23 =	vld [tilespmem:s13+$0x5A10]  }
0x73: {  	v0 =	vadd.s32 v0, v9;
	v3 =	vadd.s32 v3, v10;
	v4 =	vadd.s32 v4, v11;
	v8 =	vld [tilespmem:s13+$0x5A20]  }
0x74: {  	v9 =	vld [tilespmem:s13+$0x5A30];
	v1 =	vadd.s32 v1, v12;
	v5 =	vadd.s32 v5, v13;
	v6 =	vadd.s32 v6, v14  }
0x75: {  	v10 =	vld [tilespmem:s13+$0x5A40];
	v7 =	vadd.s32 v7, v15;
	v2 =	vadd.s32 v2, v16;
	v0 =	vadd.s32 v0, v17  }
0x76: {  	v11 =	vld [tilespmem:s13+$0x5A50];
	v3 =	vadd.s32 v3, v18;
	v4 =	vadd.s32 v4, v19;
	v1 =	vadd.s32 v1, v20  }
0x77: {  	s1 =	simm.s32 $0x80;
	s0 =	simm.s32 $0x400;
	v12 =	vld [tilespmem:s13+$0x5A60];
	v5 =	vadd.s32 v5, v21;
	v6 =	vadd.s32 v6, v22;
	v7 =	vadd.s32 v7, v23  }
.LBB2_8:
0x78: {  	p0 =	sne.s32 s0, $0x7600;
	v13 =	vld [tilespmem:s1+$0x5A70];
	v2 =	vadd.s32 v2, v8  }
0x79: {  	v14 =	vld [tilespmem:s1+$0x5A00];
	v0 =	vadd.s32 v0, v9  }
0x7a: {  	v15 =	vld [tilespmem:s1+$0x5A10];
	v3 =	vadd.s32 v3, v10  }
.Ltmp3:
0x7b: {  	v8 =	vld [tilespmem:s1+$0x5A20];
	v4 =	vadd.s32 v4, v11;
	(pc) =	sbr.rel @p0 .LBB2_8-.Ltmp3, $4  }
0x7c: {  	v9 =	vld [tilespmem:s1+$0x5A30];
	v1 =	vadd.s32 v1, v12  }
0x7d: {  	v10 =	vld [tilespmem:s1+$0x5A40];
	v5 =	vadd.s32 v5, v13  }
0x7e: {  	v6 =	vadd.s32 v6, v14;
	v11 =	vld [tilespmem:s1+$0x5A50]  }
0x7f: {  	v7 =	vadd.s32 v7, v15;
	v12 =	vld [tilespmem:s1+$0x5A60];
	s1 =	sshra.s32 s0, $0x2;
	s0 =	sadd.s32 $0x200, s0  }
0x80: {  	v13 =	vld [tilespmem:s1+$0x5A70]  }
0x81: {  	v14 =	vld [tilespmem:s1+$0x5A00]  }
0x82: {  	v15 =	vld [tilespmem:s1+$0x5A10]  }
0x83: {  	v16 =	vld [tilespmem:s1+$0x5A20]  }
0x84: {  	v17 =	vld [tilespmem:s1+$0x5A30]  }
0x85: {  	v18 =	vld [tilespmem:s1+$0x5A40]  }
0x86: {  	v19 =	vld [tilespmem:s1+$0x5A50]  }
0x87: {  	v20 =	vld [tilespmem:s1+$0x5A60];
	_ =	swait.ge [sflag:s24], $0x1E00  }
0x88: {  	[sflag:s24] =	ssyncset.done $0x0  }
0x89: {  	s13 =	simm.s32 $0x0;
	[sflag:s24] =	ssyncadd.s32 $0xFFFFE200  }
0x8a: {  	v21 =	vld [tilespmem:s13+$0x7870]  }
0x8b: {  	v22 =	vld [tilespmem:s13+$0x7800]  }
0x8c: {  	v2 =	vadd.s32 v2, v8;
	v23 =	vld [tilespmem:s13+$0x7810]  }
0x8d: {  	v0 =	vadd.s32 v0, v9;
	v3 =	vadd.s32 v3, v10;
	v4 =	vadd.s32 v4, v11;
	v8 =	vld [tilespmem:s13+$0x7820]  }
0x8e: {  	v9 =	vld [tilespmem:s13+$0x7830];
	v1 =	vadd.s32 v1, v12;
	v5 =	vadd.s32 v5, v13;
	v6 =	vadd.s32 v6, v14  }
0x8f: {  	v10 =	vld [tilespmem:s13+$0x7840];
	v7 =	vadd.s32 v7, v15;
	v2 =	vadd.s32 v2, v16;
	v0 =	vadd.s32 v0, v17  }
0x90: {  	v11 =	vld [tilespmem:s13+$0x7850];
	v3 =	vadd.s32 v3, v18;
	v4 =	vadd.s32 v4, v19;
	v1 =	vadd.s32 v1, v20  }
0x91: {  	s1 =	simm.s32 $0x80;
	s0 =	simm.s32 $0x400;
	v12 =	vld [tilespmem:s13+$0x7860];
	v5 =	vadd.s32 v5, v21;
	v6 =	vadd.s32 v6, v22;
	v7 =	vadd.s32 v7, v23  }
.LBB2_10:
0x92: {  	p0 =	sne.s32 s0, $0x7600;
	v13 =	vld [tilespmem:s1+$0x7870];
	v2 =	vadd.s32 v2, v8  }
0x93: {  	v14 =	vld [tilespmem:s1+$0x7800];
	v0 =	vadd.s32 v0, v9  }
0x94: {  	v15 =	vld [tilespmem:s1+$0x7810];
	v3 =	vadd.s32 v3, v10  }
.Ltmp4:
0x95: {  	v8 =	vld [tilespmem:s1+$0x7820];
	v4 =	vadd.s32 v4, v11;
	(pc) =	sbr.rel @p0 .LBB2_10-.Ltmp4, $4  }
0x96: {  	v9 =	vld [tilespmem:s1+$0x7830];
	v1 =	vadd.s32 v1, v12  }
0x97: {  	v10 =	vld [tilespmem:s1+$0x7840];
	v5 =	vadd.s32 v5, v13  }
0x98: {  	v6 =	vadd.s32 v6, v14;
	v11 =	vld [tilespmem:s1+$0x7850]  }
0x99: {  	v7 =	vadd.s32 v7, v15;
	v12 =	vld [tilespmem:s1+$0x7860];
	s1 =	sshra.s32 s0, $0x2;
	s0 =	sadd.s32 $0x200, s0  }
0x9a: {  	v13 =	vld [tilespmem:s1+$0x7870]  }
0x9b: {  	v14 =	vld [tilespmem:s1+$0x7800]  }
0x9c: {  	v15 =	vld [tilespmem:s1+$0x7810]  }
0x9d: {  	v16 =	vld [tilespmem:s1+$0x7820]  }
0x9e: {  	v17 =	vld [tilespmem:s1+$0x7830]  }
0x9f: {  	v18 =	vld [tilespmem:s1+$0x7840]  }
0xa0: {  	v19 =	vld [tilespmem:s1+$0x7850]  }
0xa1: {  	v20 =	vld [tilespmem:s1+$0x7860];
	_ =	swait.ge [sflag:s25], $0x1E00  }
0xa2: {  	[sflag:s25] =	ssyncset.done $0x0  }
0xa3: {  	s13 =	simm.s32 $0x0;
	[sflag:s25] =	ssyncadd.s32 $0xFFFFE200  }
0xa4: {  	v21 =	vld [tilespmem:s13+$0x9670]  }
0xa5: {  	v22 =	vld [tilespmem:s13+$0x9600]  }
0xa6: {  	v2 =	vadd.s32 v2, v8;
	v23 =	vld [tilespmem:s13+$0x9610]  }
0xa7: {  	v0 =	vadd.s32 v0, v9;
	v3 =	vadd.s32 v3, v10;
	v4 =	vadd.s32 v4, v11;
	v8 =	vld [tilespmem:s13+$0x9620]  }
0xa8: {  	v9 =	vld [tilespmem:s13+$0x9630];
	v1 =	vadd.s32 v1, v12;
	v5 =	vadd.s32 v5, v13;
	v6 =	vadd.s32 v6, v14  }
0xa9: {  	v10 =	vld [tilespmem:s13+$0x9640];
	v7 =	vadd.s32 v7, v15;
	v2 =	vadd.s32 v2, v16;
	v0 =	vadd.s32 v0, v17  }
0xaa: {  	v11 =	vld [tilespmem:s13+$0x9650];
	v3 =	vadd.s32 v3, v18;
	v4 =	vadd.s32 v4, v19;
	v1 =	vadd.s32 v1, v20  }
0xab: {  	s1 =	simm.s32 $0x80;
	s0 =	simm.s32 $0x400;
	v12 =	vld [tilespmem:s13+$0x9660];
	v5 =	vadd.s32 v5, v21;
	v6 =	vadd.s32 v6, v22;
	v7 =	vadd.s32 v7, v23  }
.LBB2_12:
0xac: {  	p0 =	sne.s32 s0, $0x7600;
	v13 =	vld [tilespmem:s1+$0x9670];
	v2 =	vadd.s32 v2, v8  }
0xad: {  	v14 =	vld [tilespmem:s1+$0x9600];
	v0 =	vadd.s32 v0, v9  }
0xae: {  	v15 =	vld [tilespmem:s1+$0x9610];
	v3 =	vadd.s32 v3, v10  }
.Ltmp5:
0xaf: {  	v8 =	vld [tilespmem:s1+$0x9620];
	v4 =	vadd.s32 v4, v11;
	(pc) =	sbr.rel @p0 .LBB2_12-.Ltmp5, $4  }
0xb0: {  	v9 =	vld [tilespmem:s1+$0x9630];
	v1 =	vadd.s32 v1, v12  }
0xb1: {  	v10 =	vld [tilespmem:s1+$0x9640];
	v5 =	vadd.s32 v5, v13  }
0xb2: {  	v6 =	vadd.s32 v6, v14;
	v11 =	vld [tilespmem:s1+$0x9650]  }
0xb3: {  	v7 =	vadd.s32 v7, v15;
	v12 =	vld [tilespmem:s1+$0x9660];
	s1 =	sshra.s32 s0, $0x2;
	s0 =	sadd.s32 $0x200, s0  }
0xb4: {  	v13 =	vld [tilespmem:s1+$0x9670]  }
0xb5: {  	v14 =	vld [tilespmem:s1+$0x9600]  }
0xb6: {  	v15 =	vld [tilespmem:s1+$0x9610]  }
0xb7: {  	v16 =	vld [tilespmem:s1+$0x9620]  }
0xb8: {  	v17 =	vld [tilespmem:s1+$0x9630]  }
0xb9: {  	v18 =	vld [tilespmem:s1+$0x9640]  }
0xba: {  	v19 =	vld [tilespmem:s1+$0x9650]  }
0xbb: {  	v20 =	vld [tilespmem:s1+$0x9660];
	_ =	swait.ge [sflag:s26], $0x1E00  }
0xbc: {  	[sflag:s26] =	ssyncset.done $0x0  }
0xbd: {  	s13 =	simm.s32 $0x0;
	[sflag:s26] =	ssyncadd.s32 $0xFFFFE200  }
0xbe: {  	v21 =	vld [tilespmem:s13+$0xB470]  }
0xbf: {  	v22 =	vld [tilespmem:s13+$0xB400]  }
0xc0: {  	v2 =	vadd.s32 v2, v8;
	v23 =	vld [tilespmem:s13+$0xB410]  }
0xc1: {  	v0 =	vadd.s32 v0, v9;
	v3 =	vadd.s32 v3, v10;
	v4 =	vadd.s32 v4, v11;
	v8 =	vld [tilespmem:s13+$0xB420]  }
0xc2: {  	v9 =	vld [tilespmem:s13+$0xB430];
	v1 =	vadd.s32 v1, v12;
	v5 =	vadd.s32 v5, v13;
	v6 =	vadd.s32 v6, v14  }
0xc3: {  	v10 =	vld [tilespmem:s13+$0xB440];
	v7 =	vadd.s32 v7, v15;
	v2 =	vadd.s32 v2, v16;
	v0 =	vadd.s32 v0, v17  }
0xc4: {  	v11 =	vld [tilespmem:s13+$0xB450];
	v3 =	vadd.s32 v3, v18;
	v4 =	vadd.s32 v4, v19;
	v1 =	vadd.s32 v1, v20  }
0xc5: {  	s1 =	simm.s32 $0x80;
	s0 =	simm.s32 $0x400;
	v12 =	vld [tilespmem:s13+$0xB460];
	v5 =	vadd.s32 v5, v21;
	v6 =	vadd.s32 v6, v22;
	v7 =	vadd.s32 v7, v23  }
.LBB2_14:
0xc6: {  	p0 =	sne.s32 s0, $0x7600;
	v13 =	vld [tilespmem:s1+$0xB470];
	v2 =	vadd.s32 v2, v8  }
0xc7: {  	v14 =	vld [tilespmem:s1+$0xB400];
	v0 =	vadd.s32 v0, v9  }
0xc8: {  	v15 =	vld [tilespmem:s1+$0xB410];
	v3 =	vadd.s32 v3, v10  }
.Ltmp6:
0xc9: {  	v8 =	vld [tilespmem:s1+$0xB420];
	v4 =	vadd.s32 v4, v11;
	(pc) =	sbr.rel @p0 .LBB2_14-.Ltmp6, $4  }
0xca: {  	v9 =	vld [tilespmem:s1+$0xB430];
	v1 =	vadd.s32 v1, v12  }
0xcb: {  	v10 =	vld [tilespmem:s1+$0xB440];
	v5 =	vadd.s32 v5, v13  }
0xcc: {  	v6 =	vadd.s32 v6, v14;
	v11 =	vld [tilespmem:s1+$0xB450]  }
0xcd: {  	v7 =	vadd.s32 v7, v15;
	v12 =	vld [tilespmem:s1+$0xB460];
	s1 =	sshra.s32 s0, $0x2;
	s0 =	sadd.s32 $0x200, s0  }
0xce: {  	v13 =	vld [tilespmem:s1+$0xB470]  }
0xcf: {  	v14 =	vld [tilespmem:s1+$0xB400]  }
0xd0: {  	v15 =	vld [tilespmem:s1+$0xB410]  }
0xd1: {  	v16 =	vld [tilespmem:s1+$0xB420]  }
0xd2: {  	v17 =	vld [tilespmem:s1+$0xB430]  }
0xd3: {  	v18 =	vld [tilespmem:s1+$0xB440]  }
0xd4: {  	v19 =	vld [tilespmem:s1+$0xB450]  }
0xd5: {  	v20 =	vld [tilespmem:s1+$0xB460];
	_ =	swait.ge [sflag:s28], $0x1E00  }
0xd6: {  	[sflag:s28] =	ssyncset.done $0x0  }
0xd7: {  	s13 =	simm.s32 $0x0;
	[sflag:s28] =	ssyncadd.s32 $0xFFFFE200  }
0xd8: {  	v21 =	vld [tilespmem:s13+$0xD270]  }
0xd9: {  	v22 =	vld [tilespmem:s13+$0xD200]  }
0xda: {  	v2 =	vadd.s32 v2, v8;
	v23 =	vld [tilespmem:s13+$0xD210]  }
0xdb: {  	v0 =	vadd.s32 v0, v9;
	v3 =	vadd.s32 v3, v10;
	v9 =	vadd.s32 v4, v11;
	v8 =	vld [tilespmem:s13+$0xD220]  }
0xdc: {  	v1 =	vadd.s32 v1, v12;
	v10 =	vadd.s32 v5, v13;
	v11 =	vadd.s32 v6, v14;
	v6 =	vld [tilespmem:s13+$0xD230]  }
0xdd: {  	v12 =	vadd.s32 v7, v15;
	v5 =	vadd.s32 v2, v16;
	v4 =	vadd.s32 v0, v17;
	v7 =	vld [tilespmem:s13+$0xD240]  }
0xde: {  	v3 =	vadd.s32 v3, v18;
	v2 =	vadd.s32 v9, v19;
	v1 =	vadd.s32 v1, v20;
	v9 =	vld [tilespmem:s13+$0xD250]  }
0xdf: {  	s1 =	simm.s32 $0x80;
	s0 =	simm.s32 $0x400;
	v0 =	vadd.s32 v10, v21;
	v11 =	vadd.s32 v11, v22;
	v12 =	vadd.s32 v12, v23;
	v10 =	vld [tilespmem:s13+$0xD260]  }
.LBB2_16:
0xe0: {  	p0 =	sne.s32 s0, $0x7600;
	v13 =	vld [tilespmem:s1+$0xD270];
	v5 =	vadd.s32 v5, v8  }
0xe1: {  	v14 =	vld [tilespmem:s1+$0xD200];
	v4 =	vadd.s32 v4, v6  }
0xe2: {  	v15 =	vld [tilespmem:s1+$0xD210];
	v3 =	vadd.s32 v3, v7  }
.Ltmp7:
0xe3: {  	v8 =	vld [tilespmem:s1+$0xD220];
	v2 =	vadd.s32 v2, v9;
	(pc) =	sbr.rel @p0 .LBB2_16-.Ltmp7, $4  }
0xe4: {  	v6 =	vld [tilespmem:s1+$0xD230];
	v1 =	vadd.s32 v1, v10  }
0xe5: {  	v7 =	vld [tilespmem:s1+$0xD240];
	v0 =	vadd.s32 v0, v13  }
0xe6: {  	v11 =	vadd.s32 v11, v14;
	v9 =	vld [tilespmem:s1+$0xD250]  }
0xe7: {  	v12 =	vadd.s32 v12, v15;
	v10 =	vld [tilespmem:s1+$0xD260];
	s1 =	sshra.s32 s0, $0x2;
	s0 =	sadd.s32 $0x200, s0  }
0xe8: {  	v13 =	vld [tilespmem:s1+$0xD200]  }
0xe9: {  	v14 =	vld [tilespmem:s1+$0xD210]  }
0xea: {  	v15 =	vld [tilespmem:s1+$0xD220]  }
0xeb: {  	v16 =	vld [tilespmem:s1+$0xD230]  }
0xec: {  	v17 =	vld [tilespmem:s1+$0xD240]  }
0xed: {  	v18 =	vld [tilespmem:s1+$0xD250]  }
0xee: {  	v5 =	vadd.s32 v5, v8;
	v61 =	vld [tilespmem:s1+$0xD260];
	v59 =	vadd.s32 v11, v13;
	v60 =	vadd.s32 v12, v14  }
0xef: {  	v63 =	vld [tilespmem:s1+$0xD270];
	v4 =	vadd.s32 v4, v6;
	v5 =	vadd.s32 v5, v15;
	v62 =	vadd.s32 v59, v60  }
0xf0: {  	v3 =	vadd.s32 v3, v7;
	v4 =	vadd.s32 v4, v16;
	v5 =	vadd.s32 v5, v62  }
0xf1: {  	v2 =	vadd.s32 v2, v9;
	v3 =	vadd.s32 v3, v17;
	v4 =	vadd.s32 v4, v5  }
0xf2: {  	v1 =	vadd.s32 v1, v10;
	v2 =	vadd.s32 v2, v18;
	v3 =	vadd.s32 v3, v4  }
0xf3: {  	v1 =	vadd.s32 v1, v61;
	v2 =	vadd.s32 v2, v3  }
0xf4: {  	s31 =	sadd.s32 $0x1, s31;
	v0 =	vadd.s32 v0, v63;
	v1 =	vadd.s32 v1, v2  }
0xf5: {  	p0 =	sne.s32 s31, s12;
	v0 =	vadd.s32 v0, v1  }
.Ltmp8:
0xf6: {  	[tilespmem:$0xF000] =	vst v0;
	(pc) =	sbr.rel @p0 .LBB2_1-.Ltmp8, $4  }
0xf7: {  	[hbm4b:s11+s2] =	stream.linear.scatter [tilespmem:s29], [sflag:$0x9], $0x80, $0x38;
	[tilespmem:$0xF080] =	vst v63  }
0xf8: {  	_ =	swait.ge [sflag:s30], $0x80  }
0xf9: {  	[sflag:s30] =	ssyncset.done $0x0  }
0xfa: {  	[sflag:s30] =	ssyncadd.s32 $0xFFFFFF80  }
0xfb: {  	_ =	sfence.sel $0x180000  }
0xfc: {  	[bflag:$0x0] =	sbarrier.arrive $0xFFFF  }
0xfd: {  	_ =	strace $0x90000047  }
0xfe: {  	s0 =	stileid.u32;
	[bflag:$0x2] =	sbarrier.arrive $0xFFFF  }
0xff: {  	p0 =	sne.s32 s0, $0x0;
	s0 =	rddreg [dreg:$0x2]  }
0x100: {  	s0 =	sadd.s32 @!p0 $0x100000, s0  }
0x101: {  	[sflag:s0] =	ssyncadd.tile.s32 @!p0 $0x1;
	_ =	shalt  }
.Lfunc_end2:
_tile_overlayer_lowered:
.L_overlay_start_2:
0x102: {  	(tag) =	ssettag $0x2  }
0x103: {  	s0 =	rddreg [dreg:$0x0];
	s2 =	stileid.u32  }
0x104: {  	s1 =	rddreg [dreg:$0x1];
	p0 =	sne.s32 s2, $0x0  }
0x105: {  	s3 =	rddreg [dreg:$0x2];
	[bflag:$0x3] =	sbarrier.arrive $0xFFFF;
	s2 =	simm.s32 @!p0 $0x1C09  }
0x106: {  	[timem:s3], [sflag:s2] =	dma.local @!p0 [hbm:s0], s1  }
0x107: {  	s0 =	simm.s32 @!p0 $0x9  }
0x108: {  	_ =	swait.ge @!p0 [sflag:s0], s1  }
0x109: {  	s1 =	ssub.s32 @!p0 $0x0, s1;
	[sflag:s0] =	ssyncset.done @!p0 $0x0  }
0x10a: {  	[sflag:s0] =	ssyncadd.s32 @!p0 s1  }
0x10b: {  	[bflag:$0x3] =	sbarrier.arrive $0xFFFF  }
0x10c: {  	_ =	shalt  }

</sc_bundles>
